<compile_context>
chip_gen: v7x
topology: tpu7x:2x2x1
jax: 0.10.2.dev20260603
libtpu: 0.0.44.dev20260713+nightly
codegen_flags: <defaults>
</compile_context>

<pallas_src>
import functools

import jax
import jax.numpy as jnp
from jax import lax
from jax.experimental import pallas as pl
from jax.experimental.pallas import tpu as pltpu
from jax.experimental.pallas import tpu_sc as plsc

NC = 2
NS = 16
CH = 64
DW = 16
F0_L0 = 0.62
F0_L1 = 0.57
PB = 14


def _round_up(v, m):
    return (v + m - 1) // m * m


@functools.lru_cache(maxsize=None)
def _make_sc_segsum(n_pad, nch_a, nch_b, width, with_deg):
    rows_per_tile = n_pad // NS
    nch_max = max(nch_a, nch_b)
    mesh = plsc.VectorSubcoreMesh(
        core_axis_name="c", subcore_axis_name="s", num_cores=NC, num_subcores=NS
    )
    out_type = [jax.ShapeDtypeStruct((NC, n_pad, width), jnp.float32)]
    scratch = [
        pltpu.VMEM((nch_max, CH), jnp.int32),
        pltpu.VMEM((CH,), jnp.int32),
        pltpu.VMEM((CH,), jnp.int32),
        pltpu.VMEM((CH,), jnp.int32),
        pltpu.VMEM((CH,), jnp.int32),
        pltpu.VMEM((CH, width), jnp.float32),
        pltpu.VMEM((CH, width), jnp.float32),
        pltpu.VMEM_SHARED((n_pad, width), jnp.float32),
        pltpu.SemaphoreType.DMA,
        pltpu.SemaphoreType.DMA,
    ]
    if with_deg:
        out_type.append(jax.ShapeDtypeStruct((NC, n_pad, DW), jnp.float32))
        scratch += [
            pltpu.VMEM((CH, DW), jnp.float32),
            pltpu.VMEM_SHARED((n_pad, DW), jnp.float32),
        ]

    @functools.partial(
        pl.kernel,
        out_type=out_type,
        mesh=mesh,
        scratch_types=scratch,
        compiler_params=pltpu.CompilerParams(use_tc_tiling_on_sc=False),
    )
    def sc_segsum(table_hbm, pk_hbm, zeros_hbm, *rest):
        if with_deg:
            (onehot_hbm, zdeg_hbm, out_hbm, deg_hbm,
             pk_v, src_a, dst_a, src_b, dst_b, rows_a, rows_b, acc_sh,
             sem_a, sem_b, ones_v, deg_sh) = rest
        else:
            (out_hbm,
             pk_v, src_a, dst_a, src_b, dst_b, rows_a, rows_b, acc_sh,
             sem_a, sem_b) = rest
        cid = lax.axis_index("c")
        sid = lax.axis_index("s")
        row0 = sid * rows_per_tile
        base = jnp.where(cid == 0, sid * nch_a, NS * nch_a + sid * nch_b)
        npairs = jnp.where(cid == 0, nch_a // 2, nch_b // 2)
        nmy = jnp.where(cid == 0, nch_a, nch_b)
        pltpu.sync_copy(zeros_hbm, acc_sh.at[pl.ds(row0, rows_per_tile)])
        pltpu.sync_copy(pk_hbm.at[pl.ds(base, nch_max)], pk_v)
        if with_deg:
            pltpu.sync_copy(onehot_hbm, ones_v)
            pltpu.sync_copy(zdeg_hbm, deg_sh.at[pl.ds(row0, rows_per_tile)])
        plsc.subcore_barrier()

        def unpack(j, sbuf, dbuf):
            row = pk_v.at[j]
            for k in range(CH // 16):
                v = row[pl.ds(16 * k, 16)]
                sbuf[pl.ds(16 * k, 16)] = lax.bitwise_and(v, 2 ** PB - 1)
                dbuf[pl.ds(16 * k, 16)] = lax.shift_right_logical(v, PB)

        unpack(0, src_a, dst_a)
        pltpu.async_copy(table_hbm.at[src_a], rows_a, sem_a)

        def body(p, carry):
            j0 = 2 * p
            unpack(j0 + 1, src_b, dst_b)
            pltpu.async_copy(table_hbm.at[src_b], rows_b, sem_b)
            pltpu.make_async_copy(table_hbm.at[src_a], rows_a, sem_a).wait()
            pltpu.sync_copy(rows_a, acc_sh.at[dst_a], add=True)
            if with_deg:
                pltpu.sync_copy(ones_v, deg_sh.at[dst_a], add=True)

            @pl.when(j0 + 2 < nmy)
            def _():
                unpack(j0 + 2, src_a, dst_a)
                pltpu.async_copy(table_hbm.at[src_a], rows_a, sem_a)

            pltpu.make_async_copy(table_hbm.at[src_b], rows_b, sem_b).wait()
            pltpu.sync_copy(rows_b, acc_sh.at[dst_b], add=True)
            if with_deg:
                pltpu.sync_copy(ones_v, deg_sh.at[dst_b], add=True)
            return carry

        lax.fori_loop(0, npairs, body, 0)
        plsc.subcore_barrier()
        pltpu.sync_copy(acc_sh.at[pl.ds(row0, rows_per_tile)],
                        out_hbm.at[cid, pl.ds(row0, rows_per_tile)])
        if with_deg:
            pltpu.sync_copy(deg_sh.at[pl.ds(row0, rows_per_tile)],
                            deg_hbm.at[cid, pl.ds(row0, rows_per_tile)])

    return sc_segsum


def _tc_mid_body(x_ref, acc_ref, deg_ref, ws0_ref, wn0_ref, b0_ref, wn1_ref,
                 ws1_ref, y1_ref, hs_ref, *, c1):
    deg = jnp.clip(deg_ref[0][:, 0:1] + deg_ref[1][:, 0:1], 1.0, None)
    mean = (acc_ref[0] + acc_ref[1]) / deg
    h = jnp.dot(x_ref[...], ws0_ref[...], preferred_element_type=jnp.float32)
    h = h + jnp.dot(mean, wn0_ref[...], preferred_element_type=jnp.float32)
    h = jnp.maximum(h + b0_ref[...], 0.0)
    y1 = jnp.dot(h, wn1_ref[...], preferred_element_type=jnp.float32)
    col = lax.broadcasted_iota(jnp.int32, y1.shape, 1)
    y1_ref[...] = jnp.where(col == c1 - 1, 1.0, y1)
    hs_ref[...] = jnp.dot(h, ws1_ref[...], preferred_element_type=jnp.float32)


def _tc_out_body(hs_ref, acc_ref, b1_ref, o_ref, *, ccol):
    a = acc_ref[0] + acc_ref[1]
    deg = jnp.clip(a[:, ccol:ccol + 1], 1.0, None)
    o_ref[...] = hs_ref[...] + a / deg + b1_ref[...]


def _split_chunks(e, f0):
    t0 = -(-e // CH)
    nch_a = max(2, _round_up(int(t0 * f0 / NS + 0.5), 2))
    rem = max(e - NS * nch_a * CH, 0)
    nch_b = max(2, _round_up(-(-rem // (NS * CH)), 2))
    return nch_a, nch_b


def _prep_edges(edge_index, nch_a, nch_b, dump_row):
    nch_max = max(nch_a, nch_b)
    e_pad = NS * (nch_a + nch_b) * CH
    t_alloc = e_pad // CH + max(nch_a - nch_b, 0)
    src = edge_index[0].astype(jnp.int32)
    dst = edge_index[1].astype(jnp.int32)
    pk = dst * (2 ** PB) + src
    pad = t_alloc * CH - pk.shape[0]
    if pad:
        pk = jnp.concatenate([pk, jnp.full((pad,), dump_row * (2 ** PB), jnp.int32)])
    return pk.reshape(t_alloc, CH), nch_max


def kernel(x, edge_index0, edge_index1, W_self0, W_neigh0, b0, W_self1, W_neigh1, b1):
    n, d = x.shape
    h_dim = W_self0.shape[1]
    c = W_self1.shape[1]
    e = edge_index0.shape[1]

    c1 = _round_up(c + 1, 16)
    n_pad = _round_up(n + 1, 128)
    rows_per_tile = n_pad // NS
    nch_a0, nch_b0 = _split_chunks(e, F0_L0)
    nch_a1, nch_b1 = _split_chunks(e, F0_L1)

    pk0, _ = _prep_edges(edge_index0, nch_a0, nch_b0, n)
    pk1, _ = _prep_edges(edge_index1, nch_a1, nch_b1, n)

    zeros0 = jnp.zeros((rows_per_tile, d), jnp.float32)
    zeros1 = jnp.zeros((rows_per_tile, c1), jnp.float32)
    zdeg = jnp.zeros((rows_per_tile, DW), jnp.float32)
    onehot = jnp.zeros((CH, DW), jnp.float32).at[:, 0].set(1.0)

    b0r = b0.reshape(1, h_dim)
    b1p = jnp.concatenate([b1, jnp.zeros((c1 - c,), jnp.float32)]).reshape(1, c1)
    wn1p = jnp.pad(W_neigh1, ((0, 0), (0, c1 - c)))
    ws1p = jnp.pad(W_self1, ((0, 0), (0, c1 - c)))

    acc0, deg0 = _make_sc_segsum(n_pad, nch_a0, nch_b0, d, True)(
        x, pk0, zeros0, onehot, zdeg)

    r = 5000
    grid = (n // r,)
    y1p, hs = pl.pallas_call(
        functools.partial(_tc_mid_body, c1=c1),
        grid=grid,
        in_specs=[
            pl.BlockSpec((r, d), lambda i: (i, 0)),
            pl.BlockSpec((NC, r, d), lambda i: (0, i, 0)),
            pl.BlockSpec((NC, r, DW), lambda i: (0, i, 0)),
            pl.BlockSpec((d, h_dim), lambda i: (0, 0)),
            pl.BlockSpec((d, h_dim), lambda i: (0, 0)),
            pl.BlockSpec((1, h_dim), lambda i: (0, 0)),
            pl.BlockSpec((h_dim, c1), lambda i: (0, 0)),
            pl.BlockSpec((h_dim, c1), lambda i: (0, 0)),
        ],
        out_specs=[pl.BlockSpec((r, c1), lambda i: (i, 0)),
                   pl.BlockSpec((r, c1), lambda i: (i, 0))],
        out_shape=[jax.ShapeDtypeStruct((n, c1), jnp.float32),
                   jax.ShapeDtypeStruct((n, c1), jnp.float32)],
    )(x, acc0, deg0, W_self0, W_neigh0, b0r, wn1p, ws1p)

    (acc1,) = _make_sc_segsum(n_pad, nch_a1, nch_b1, c1, False)(y1p, pk1, zeros1)

    out = pl.pallas_call(
        functools.partial(_tc_out_body, ccol=c),
        grid=grid,
        in_specs=[
            pl.BlockSpec((r, c1), lambda i: (i, 0)),
            pl.BlockSpec((NC, r, c1), lambda i: (0, i, 0)),
            pl.BlockSpec((1, c1), lambda i: (0, 0)),
        ],
        out_specs=pl.BlockSpec((r, c1), lambda i: (i, 0)),
        out_shape=jax.ShapeDtypeStruct((n, c1), jnp.float32),
    )(hs, acc1, b1p)

    return out[:, :c]

# --- scband reference (transcript-rebuilt; emitter-appended) ---
"""Pipeline reference for scband-sage-dist-81011673137363 (READ-ONLY COPY).

The authoritative reference and input builder live on the scoring server;
editing this copy changes nothing except your own understanding.
"""

import jax, jax.numpy as jnp
import numpy as np

N = 10000
E = 320000
D = 128
H = 128
C = 47


def _sage_layer(x, edge_index, W_self, W_neigh, b):
    # dgl SAGEConv with 'mean' aggregator: h = x_dst @ W_self + mean_{src in N(dst)} x_src @ W_neigh + b
    src = edge_index[0]
    dst = edge_index[1]
    msg = jnp.take(x, src, axis=0)
    agg = jax.ops.segment_sum(msg, dst, num_segments=N)
    deg = jax.ops.segment_sum(jnp.ones((src.shape[0],), dtype=x.dtype), dst, num_segments=N)
    mean = agg / jnp.clip(deg, 1.0, None)[:, None]
    return x @ W_self + mean @ W_neigh + b


def setup_inputs(seed: int = 0):
    key = jax.random.key(seed)
    ks = jax.random.split(key, 9)
    x = jax.random.normal(ks[0], (N, D), dtype=jnp.float32)
    edge_index0 = jax.random.randint(ks[1], (2, E), 0, N)
    edge_index1 = jax.random.randint(ks[2], (2, E), 0, N)
    s = 1.0 / np.sqrt(D)
    W_self0 = jax.random.uniform(ks[3], (D, H), minval=-s, maxval=s, dtype=jnp.float32)
    W_neigh0 = jax.random.uniform(ks[4], (D, H), minval=-s, maxval=s, dtype=jnp.float32)
    b0 = jnp.zeros((H,), dtype=jnp.float32)
    s2 = 1.0 / np.sqrt(H)
    W_self1 = jax.random.uniform(ks[5], (H, C), minval=-s2, maxval=s2, dtype=jnp.float32)
    W_neigh1 = jax.random.uniform(ks[6], (H, C), minval=-s2, maxval=s2, dtype=jnp.float32)
    b1 = jnp.zeros((C,), dtype=jnp.float32)
    return {"x": x, "edge_index0": edge_index0, "edge_index1": edge_index1,
            "W_self0": W_self0, "W_neigh0": W_neigh0, "b0": b0,
            "W_self1": W_self1, "W_neigh1": W_neigh1, "b1": b1}


def reference(x, edge_index0, edge_index1, W_self0, W_neigh0, b0, W_self1, W_neigh1, b1):
    # layer 0: SAGEConv(in_feats -> n_hidden) + activation (dropout is identity in eval)
    h = _sage_layer(x, edge_index0, W_self0, W_neigh0, b0)
    h = jax.nn.relu(h)
    # layer 1 (final): SAGEConv(n_hidden -> n_classes), no activation/dropout
    h = _sage_layer(h, edge_index1, W_self1, W_neigh1, b1)
    return h

if __name__ == "__main__":
    import jax
    _d = setup_inputs()
    print(jax.jit(kernel)(*tuple(_d.values())))

</pallas_src>

<mosaic_0001>
#map = affine_map<(d0, d1) -> (0, 0)>
#map1 = affine_map<(d0, d1) -> (0, 0, 0)>
module attributes {stable_mosaic.version = 14 : i64} {
  func.func @sc_segsum(%arg0: i32, %arg1: i32, %arg2: memref<10000x128xf32, #tpu.memory_space<hbm>>, %arg3: memref<5098x64xi32, #tpu.memory_space<hbm>>, %arg4: memref<632x128xf32, #tpu.memory_space<hbm>>, %arg5: memref<64x16xf32, #tpu.memory_space<hbm>>, %arg6: memref<632x16xf32, #tpu.memory_space<hbm>>, %arg7: memref<2x10112x128xf32, #tpu.memory_space<hbm>>, %arg8: memref<2x10112x16xf32, #tpu.memory_space<hbm>>, %arg9: memref<194x64xi32, #tpu.memory_space<vmem>>, %arg10: memref<64xi32, #tpu.memory_space<vmem>>, %arg11: memref<64xi32, #tpu.memory_space<vmem>>, %arg12: memref<64xi32, #tpu.memory_space<vmem>>, %arg13: memref<64xi32, #tpu.memory_space<vmem>>, %arg14: memref<64x128xf32, #tpu.memory_space<vmem>>, %arg15: memref<64x128xf32, #tpu.memory_space<vmem>>, %arg16: memref<10112x128xf32, #tpu.memory_space<vmem_shared>>, %arg17: memref<!tpu.dma_semaphore, #tpu.memory_space<semaphore_mem>>, %arg18: memref<!tpu.dma_semaphore, #tpu.memory_space<semaphore_mem>>, %arg19: memref<64x16xf32, #tpu.memory_space<vmem>>, %arg20: memref<10112x16xf32, #tpu.memory_space<vmem_shared>>) attributes {dimension_semantics = [#tpu.dimension_semantics<core_parallel>, #tpu.dimension_semantics<subcore_parallel>], iteration_bounds = array<i64: 2, 16>, scalar_prefetch = 0 : i64, scratch_operands = 12 : i64, tpu.core_type = #tpu.core_type<sc_vector_subcore>, window_params = [{transform_indices = #map}, {transform_indices = #map}, {transform_indices = #map}, {transform_indices = #map}, {transform_indices = #map}, {transform_indices = #map1}, {transform_indices = #map1}]} {
    %mul3A = arith.constant 632 : i32
    %mul3A_0 = arith.muli %arg1, %mul3A : i32
    %eq3A = arith.constant 0 : i32
    %eq3A_1 = arith.cmpi eq, %arg0, %eq3A : i32
    %mul3A_2 = arith.constant 194 : i32
    %mul3A_3 = arith.muli %arg1, %mul3A_2 : i32
    %mul3A_4 = arith.constant 120 : i32
    %mul3A_5 = arith.muli %arg1, %mul3A_4 : i32
    %add3A = arith.constant 3104 : i32
    %add3A_6 = arith.addi %add3A, %mul3A_5 : i32
    %select_n3A = arith.select %eq3A_1, %mul3A_3, %add3A_6 : i32
    %eq3A_7 = arith.constant 0 : i32
    %eq3A_8 = arith.cmpi eq, %arg0, %eq3A_7 : i32
    %jit3A = arith.constant 97 : i32
    %jit3A_9 = arith.constant 60 : i32
    %select_n3A_10 = arith.select %eq3A_8, %jit3A, %jit3A_9 : i32
    %eq3A_11 = arith.constant 0 : i32
    %eq3A_12 = arith.cmpi eq, %arg0, %eq3A_11 : i32
    %jit3A_13 = arith.constant 194 : i32
    %jit3A_14 = arith.constant 120 : i32
    %select_n3A_15 = arith.select %eq3A_12, %jit3A_13, %jit3A_14 : i32
    "tpu.region"() ({
      %run_scoped3A = tpu.sem_alloc : memref<!tpu.dma_semaphore, #tpu.memory_space<semaphore_mem>>
      %dma_start3A_108 = arith.constant 0 : i32
      %dma_start3A_109 = tpu.memref_slice %arg16[%mul3A_0, %dma_start3A_108] : memref<10112x128xf32, #tpu.memory_space<vmem_shared>> -> memref<632x128xf32, #tpu.memory_space<vmem_shared>>
      tpu.enqueue_dma source(%arg4 : memref<632x128xf32, #tpu.memory_space<hbm>>) target(%dma_start3A_109 : memref<632x128xf32, #tpu.memory_space<vmem_shared>>) target_semaphore(%run_scoped3A : memref<!tpu.dma_semaphore, #tpu.memory_space<semaphore_mem>>)
      %dma_wait3A = arith.constant 0 : i32
      %dma_wait3A_110 = tpu.memref_slice %arg16[%mul3A_0, %dma_wait3A] : memref<10112x128xf32, #tpu.memory_space<vmem_shared>> -> memref<632x128xf32, #tpu.memory_space<vmem_shared>>
      tpu.wait_dma2 semaphore(%run_scoped3A : memref<!tpu.dma_semaphore, #tpu.memory_space<semaphore_mem>>) src(%arg4 : memref<632x128xf32, #tpu.memory_space<hbm>>) dst(%dma_wait3A_110 : memref<632x128xf32, #tpu.memory_space<vmem_shared>>)
      tpu.yield
    }) : () -> ()
    "tpu.region"() ({
      %run_scoped3A = tpu.sem_alloc : memref<!tpu.dma_semaphore, #tpu.memory_space<semaphore_mem>>
      %dma_start3A_108 = arith.constant 0 : i32
      %dma_start3A_109 = tpu.memref_slice %arg3[%select_n3A, %dma_start3A_108] : memref<5098x64xi32, #tpu.memory_space<hbm>> -> memref<194x64xi32, #tpu.memory_space<hbm>>
      %dma_start3A_110 = arith.constant 0 : i32
      %dma_start3A_111 = tpu.memref_slice %arg3[%select_n3A, %dma_start3A_110] : memref<5098x64xi32, #tpu.memory_space<hbm>> -> memref<194x64xi32, #tpu.memory_space<hbm>>
      tpu.enqueue_dma source(%dma_start3A_111 : memref<194x64xi32, #tpu.memory_space<hbm>>) target(%arg9 : memref<194x64xi32, #tpu.memory_space<vmem>>) target_semaphore(%run_scoped3A : memref<!tpu.dma_semaphore, #tpu.memory_space<semaphore_mem>>)
      %dma_wait3A = arith.constant 0 : i32
      %dma_wait3A_112 = tpu.memref_slice %arg3[%select_n3A, %dma_wait3A] : memref<5098x64xi32, #tpu.memory_space<hbm>> -> memref<194x64xi32, #tpu.memory_space<hbm>>
      %dma_wait3A_113 = arith.constant 0 : i32
      %dma_wait3A_114 = tpu.memref_slice %arg3[%select_n3A, %dma_wait3A_113] : memref<5098x64xi32, #tpu.memory_space<hbm>> -> memref<194x64xi32, #tpu.memory_space<hbm>>
      tpu.wait_dma2 semaphore(%run_scoped3A : memref<!tpu.dma_semaphore, #tpu.memory_space<semaphore_mem>>) src(%dma_wait3A_114 : memref<194x64xi32, #tpu.memory_space<hbm>>) dst(%arg9 : memref<194x64xi32, #tpu.memory_space<vmem>>)
      tpu.yield
    }) : () -> ()
    "tpu.region"() ({
      %run_scoped3A = tpu.sem_alloc : memref<!tpu.dma_semaphore, #tpu.memory_space<semaphore_mem>>
      tpu.enqueue_dma source(%arg5 : memref<64x16xf32, #tpu.memory_space<hbm>>) target(%arg19 : memref<64x16xf32, #tpu.memory_space<vmem>>) target_semaphore(%run_scoped3A : memref<!tpu.dma_semaphore, #tpu.memory_space<semaphore_mem>>)
      tpu.wait_dma2 semaphore(%run_scoped3A : memref<!tpu.dma_semaphore, #tpu.memory_space<semaphore_mem>>) src(%arg5 : memref<64x16xf32, #tpu.memory_space<hbm>>) dst(%arg19 : memref<64x16xf32, #tpu.memory_space<vmem>>)
      tpu.yield
    }) : () -> ()
    "tpu.region"() ({
      %run_scoped3A = tpu.sem_alloc : memref<!tpu.dma_semaphore, #tpu.memory_space<semaphore_mem>>
      %dma_start3A_108 = arith.constant 0 : i32
      %dma_start3A_109 = tpu.memref_slice %arg20[%mul3A_0, %dma_start3A_108] : memref<10112x16xf32, #tpu.memory_space<vmem_shared>> -> memref<632x16xf32, #tpu.memory_space<vmem_shared>>
      tpu.enqueue_dma source(%arg6 : memref<632x16xf32, #tpu.memory_space<hbm>>) target(%dma_start3A_109 : memref<632x16xf32, #tpu.memory_space<vmem_shared>>) target_semaphore(%run_scoped3A : memref<!tpu.dma_semaphore, #tpu.memory_space<semaphore_mem>>)
      %dma_wait3A = arith.constant 0 : i32
      %dma_wait3A_110 = tpu.memref_slice %arg20[%mul3A_0, %dma_wait3A] : memref<10112x16xf32, #tpu.memory_space<vmem_shared>> -> memref<632x16xf32, #tpu.memory_space<vmem_shared>>
      tpu.wait_dma2 semaphore(%run_scoped3A : memref<!tpu.dma_semaphore, #tpu.memory_space<semaphore_mem>>) src(%arg6 : memref<632x16xf32, #tpu.memory_space<hbm>>) dst(%dma_wait3A_110 : memref<632x16xf32, #tpu.memory_space<vmem_shared>>)
      tpu.yield
    }) : () -> ()
    %barrier3A = arith.constant 0 : index
    tpu.barrier barrier_id(%barrier3A)
    %get3A = arith.constant 0 : i32
    %get3A_16 = arith.constant 0 : i32
    %get3A_17 = tpu.memref_slice %arg9[%get3A, %get3A_16] : memref<194x64xi32, #tpu.memory_space<vmem>> -> memref<1x64xi32, #tpu.memory_space<vmem>>
    %get3A_18 = tpu.memref_squeeze %get3A_17 : memref<1x64xi32, #tpu.memory_space<vmem>> -> memref<64xi32, #tpu.memory_space<vmem>>
    %get3A_19 = arith.constant 0 : index
    %get3A_20 = tpu.vector_load %get3A_18[%get3A_19] {strides = array<i32>} : memref<64xi32, #tpu.memory_space<vmem>>, vector<16xi32>,
    %get3A_21 = vector.shape_cast %get3A_20 : vector<16xi32> to vector<16xi32>
    %and3A = arith.constant 16383 : i32
    %and3A_22 = vector.broadcast %and3A : i32 to vector<16xi32>
    %and3A_23 = arith.andi %get3A_21, %and3A_22 : vector<16xi32>
    %swap3A = arith.constant 0 : index
    %swap3A_24 = tpu.vector_load %arg10[%swap3A] {strides = array<i32>} : memref<64xi32, #tpu.memory_space<vmem>>, vector<16xi32>,
    %swap3A_25 = vector.shape_cast %swap3A_24 : vector<16xi32> to vector<16xi32>
    %swap3A_26 = vector.shape_cast %and3A_23 : vector<16xi32> to vector<16xi32>
    tpu.vector_store %arg10[%swap3A], %swap3A_26 {strides = array<i32>} : memref<64xi32, #tpu.memory_space<vmem>>, vector<16xi32>,
    %shift_right_logical3A = arith.constant 14 : i32
    %shift_right_logical3A_27 = vector.broadcast %shift_right_logical3A : i32 to vector<16xi32>
    %shift_right_logical3A_28 = arith.shrui %get3A_21, %shift_right_logical3A_27 : vector<16xi32>
    %swap3A_29 = arith.constant 0 : index
    %swap3A_30 = tpu.vector_load %arg11[%swap3A_29] {strides = array<i32>} : memref<64xi32, #tpu.memory_space<vmem>>, vector<16xi32>,
    %swap3A_31 = vector.shape_cast %swap3A_30 : vector<16xi32> to vector<16xi32>
    %swap3A_32 = vector.shape_cast %shift_right_logical3A_28 : vector<16xi32> to vector<16xi32>
    tpu.vector_store %arg11[%swap3A_29], %swap3A_32 {strides = array<i32>} : memref<64xi32, #tpu.memory_space<vmem>>, vector<16xi32>,
    %get3A_33 = arith.constant 0 : i32
    %get3A_34 = arith.constant 0 : i32
    %get3A_35 = tpu.memref_slice %arg9[%get3A_33, %get3A_34] : memref<194x64xi32, #tpu.memory_space<vmem>> -> memref<1x64xi32, #tpu.memory_space<vmem>>
    %get3A_36 = tpu.memref_squeeze %get3A_35 : memref<1x64xi32, #tpu.memory_space<vmem>> -> memref<64xi32, #tpu.memory_space<vmem>>
    %get3A_37 = arith.constant 16 : index
    %get3A_38 = tpu.vector_load %get3A_36[%get3A_37] {strides = array<i32>} : memref<64xi32, #tpu.memory_space<vmem>>, vector<16xi32>,
    %get3A_39 = vector.shape_cast %get3A_38 : vector<16xi32> to vector<16xi32>
    %and3A_40 = arith.constant 16383 : i32
    %and3A_41 = vector.broadcast %and3A_40 : i32 to vector<16xi32>
    %and3A_42 = arith.andi %get3A_39, %and3A_41 : vector<16xi32>
    %swap3A_43 = arith.constant 16 : index
    %swap3A_44 = tpu.vector_load %arg10[%swap3A_43] {strides = array<i32>} : memref<64xi32, #tpu.memory_space<vmem>>, vector<16xi32>,
    %swap3A_45 = vector.shape_cast %swap3A_44 : vector<16xi32> to vector<16xi32>
    %swap3A_46 = vector.shape_cast %and3A_42 : vector<16xi32> to vector<16xi32>
    tpu.vector_store %arg10[%swap3A_43], %swap3A_46 {strides = array<i32>} : memref<64xi32, #tpu.memory_space<vmem>>, vector<16xi32>,
    %shift_right_logical3A_47 = arith.constant 14 : i32
    %shift_right_logical3A_48 = vector.broadcast %shift_right_logical3A_47 : i32 to vector<16xi32>
    %shift_right_logical3A_49 = arith.shrui %get3A_39, %shift_right_logical3A_48 : vector<16xi32>
    %swap3A_50 = arith.constant 16 : index
    %swap3A_51 = tpu.vector_load %arg11[%swap3A_50] {strides = array<i32>} : memref<64xi32, #tpu.memory_space<vmem>>, vector<16xi32>,
    %swap3A_52 = vector.shape_cast %swap3A_51 : vector<16xi32> to vector<16xi32>
    %swap3A_53 = vector.shape_cast %shift_right_logical3A_49 : vector<16xi32> to vector<16xi32>
    tpu.vector_store %arg11[%swap3A_50], %swap3A_53 {strides = array<i32>} : memref<64xi32, #tpu.memory_space<vmem>>, vector<16xi32>,
    %get3A_54 = arith.constant 0 : i32
    %get3A_55 = arith.constant 0 : i32
    %get3A_56 = tpu.memref_slice %arg9[%get3A_54, %get3A_55] : memref<194x64xi32, #tpu.memory_space<vmem>> -> memref<1x64xi32, #tpu.memory_space<vmem>>
    %get3A_57 = tpu.memref_squeeze %get3A_56 : memref<1x64xi32, #tpu.memory_space<vmem>> -> memref<64xi32, #tpu.memory_space<vmem>>
    %get3A_58 = arith.constant 32 : index
    %get3A_59 = tpu.vector_load %get3A_57[%get3A_58] {strides = array<i32>} : memref<64xi32, #tpu.memory_space<vmem>>, vector<16xi32>,
    %get3A_60 = vector.shape_cast %get3A_59 : vector<16xi32> to vector<16xi32>
    %and3A_61 = arith.constant 16383 : i32
    %and3A_62 = vector.broadcast %and3A_61 : i32 to vector<16xi32>
    %and3A_63 = arith.andi %get3A_60, %and3A_62 : vector<16xi32>
    %swap3A_64 = arith.constant 32 : index
    %swap3A_65 = tpu.vector_load %arg10[%swap3A_64] {strides = array<i32>} : memref<64xi32, #tpu.memory_space<vmem>>, vector<16xi32>,
    %swap3A_66 = vector.shape_cast %swap3A_65 : vector<16xi32> to vector<16xi32>
    %swap3A_67 = vector.shape_cast %and3A_63 : vector<16xi32> to vector<16xi32>
    tpu.vector_store %arg10[%swap3A_64], %swap3A_67 {strides = array<i32>} : memref<64xi32, #tpu.memory_space<vmem>>, vector<16xi32>,
    %shift_right_logical3A_68 = arith.constant 14 : i32
    %shift_right_logical3A_69 = vector.broadcast %shift_right_logical3A_68 : i32 to vector<16xi32>
    %shift_right_logical3A_70 = arith.shrui %get3A_60, %shift_right_logical3A_69 : vector<16xi32>
    %swap3A_71 = arith.constant 32 : index
    %swap3A_72 = tpu.vector_load %arg11[%swap3A_71] {strides = array<i32>} : memref<64xi32, #tpu.memory_space<vmem>>, vector<16xi32>,
    %swap3A_73 = vector.shape_cast %swap3A_72 : vector<16xi32> to vector<16xi32>
    %swap3A_74 = vector.shape_cast %shift_right_logical3A_70 : vector<16xi32> to vector<16xi32>
    tpu.vector_store %arg11[%swap3A_71], %swap3A_74 {strides = array<i32>} : memref<64xi32, #tpu.memory_space<vmem>>, vector<16xi32>,
    %get3A_75 = arith.constant 0 : i32
    %get3A_76 = arith.constant 0 : i32
    %get3A_77 = tpu.memref_slice %arg9[%get3A_75, %get3A_76] : memref<194x64xi32, #tpu.memory_space<vmem>> -> memref<1x64xi32, #tpu.memory_space<vmem>>
    %get3A_78 = tpu.memref_squeeze %get3A_77 : memref<1x64xi32, #tpu.memory_space<vmem>> -> memref<64xi32, #tpu.memory_space<vmem>>
    %get3A_79 = arith.constant 48 : index
    %get3A_80 = tpu.vector_load %get3A_78[%get3A_79] {strides = array<i32>} : memref<64xi32, #tpu.memory_space<vmem>>, vector<16xi32>,
    %get3A_81 = vector.shape_cast %get3A_80 : vector<16xi32> to vector<16xi32>
    %and3A_82 = arith.constant 16383 : i32
    %and3A_83 = vector.broadcast %and3A_82 : i32 to vector<16xi32>
    %and3A_84 = arith.andi %get3A_81, %and3A_83 : vector<16xi32>
    %swap3A_85 = arith.constant 48 : index
    %swap3A_86 = tpu.vector_load %arg10[%swap3A_85] {strides = array<i32>} : memref<64xi32, #tpu.memory_space<vmem>>, vector<16xi32>,
    %swap3A_87 = vector.shape_cast %swap3A_86 : vector<16xi32> to vector<16xi32>
    %swap3A_88 = vector.shape_cast %and3A_84 : vector<16xi32> to vector<16xi32>
    tpu.vector_store %arg10[%swap3A_85], %swap3A_88 {strides = array<i32>} : memref<64xi32, #tpu.memory_space<vmem>>, vector<16xi32>,
    %shift_right_logical3A_89 = arith.constant 14 : i32
    %shift_right_logical3A_90 = vector.broadcast %shift_right_logical3A_89 : i32 to vector<16xi32>
    %shift_right_logical3A_91 = arith.shrui %get3A_81, %shift_right_logical3A_90 : vector<16xi32>
    %swap3A_92 = arith.constant 48 : index
    %swap3A_93 = tpu.vector_load %arg11[%swap3A_92] {strides = array<i32>} : memref<64xi32, #tpu.memory_space<vmem>>, vector<16xi32>,
    %swap3A_94 = vector.shape_cast %swap3A_93 : vector<16xi32> to vector<16xi32>
    %swap3A_95 = vector.shape_cast %shift_right_logical3A_91 : vector<16xi32> to vector<16xi32>
    tpu.vector_store %arg11[%swap3A_92], %swap3A_95 {strides = array<i32>} : memref<64xi32, #tpu.memory_space<vmem>>, vector<16xi32>,
    %dma_start3A = arith.constant 0 : i32
    %dma_start3A_96 = arith.constant 0 : i32
    %dma_start3A_97 = tpu.memref_slice %arg2[%dma_start3A, %dma_start3A_96] : memref<10000x128xf32, #tpu.memory_space<hbm>> -> memref<10000x128xf32, #tpu.memory_space<hbm>>
    tpu.enqueue_indirect_dma source(%dma_start3A_97 : memref<10000x128xf32, #tpu.memory_space<hbm>>) target(%arg14 : memref<64x128xf32, #tpu.memory_space<vmem>>) offsets(%arg10 : memref<64xi32, #tpu.memory_space<vmem>>) semaphore(%arg17 : memref<!tpu.dma_semaphore, #tpu.memory_space<semaphore_mem>>)
    %while3A = arith.constant 0 : i32
    %while3A_98 = arith.constant 0 : i32
    %while3A_99 = arith.subi %select_n3A_10, %while3A_98 : i32
    %while3A_100 = arith.addi %while3A_98, %while3A_99 : i32
    %while3A_101 = arith.constant 1 : i32
    %while3A_102 = arith.divsi %while3A_99, %while3A_101 : i32
    %while3A_103 = arith.muli %while3A_102, %while3A_101 : i32
    %while3A_104 = arith.addi %while3A_98, %while3A_103 : i32
    %while3A_105 = arith.constant 1 : i32
    scf.for %while3A_108 = %while3A_98 to %while3A_104 step %while3A_105  : i32 {
      %mul3A_109 = arith.constant 2 : i32
      %mul3A_110 = arith.muli %mul3A_109, %while3A_108 : i32
      %add3A_111 = arith.constant 1 : i32
      %add3A_112 = arith.addi %mul3A_110, %add3A_111 : i32
      %get3A_113 = arith.constant 0 : i32
      %get3A_114 = tpu.memref_slice %arg9[%add3A_112, %get3A_113] : memref<194x64xi32, #tpu.memory_space<vmem>> -> memref<1x64xi32, #tpu.memory_space<vmem>>
      %get3A_115 = tpu.memref_squeeze %get3A_114 : memref<1x64xi32, #tpu.memory_space<vmem>> -> memref<64xi32, #tpu.memory_space<vmem>>
      %get3A_116 = arith.constant 0 : index
      %get3A_117 = tpu.vector_load %get3A_115[%get3A_116] {strides = array<i32>} : memref<64xi32, #tpu.memory_space<vmem>>, vector<16xi32>,
      %get3A_118 = vector.shape_cast %get3A_117 : vector<16xi32> to vector<16xi32>
      %and3A_119 = arith.constant 16383 : i32
      %and3A_120 = vector.broadcast %and3A_119 : i32 to vector<16xi32>
      %and3A_121 = arith.andi %get3A_118, %and3A_120 : vector<16xi32>
      %swap3A_122 = arith.constant 0 : index
      %swap3A_123 = tpu.vector_load %arg12[%swap3A_122] {strides = array<i32>} : memref<64xi32, #tpu.memory_space<vmem>>, vector<16xi32>,
      %swap3A_124 = vector.shape_cast %swap3A_123 : vector<16xi32> to vector<16xi32>
      %swap3A_125 = vector.shape_cast %and3A_121 : vector<16xi32> to vector<16xi32>
      tpu.vector_store %arg12[%swap3A_122], %swap3A_125 {strides = array<i32>} : memref<64xi32, #tpu.memory_space<vmem>>, vector<16xi32>,
      %shift_right_logical3A_126 = arith.constant 14 : i32
      %shift_right_logical3A_127 = vector.broadcast %shift_right_logical3A_126 : i32 to vector<16xi32>
      %shift_right_logical3A_128 = arith.shrui %get3A_118, %shift_right_logical3A_127 : vector<16xi32>
      %swap3A_129 = arith.constant 0 : index
      %swap3A_130 = tpu.vector_load %arg13[%swap3A_129] {strides = array<i32>} : memref<64xi32, #tpu.memory_space<vmem>>, vector<16xi32>,
      %swap3A_131 = vector.shape_cast %swap3A_130 : vector<16xi32> to vector<16xi32>
      %swap3A_132 = vector.shape_cast %shift_right_logical3A_128 : vector<16xi32> to vector<16xi32>
      tpu.vector_store %arg13[%swap3A_129], %swap3A_132 {strides = array<i32>} : memref<64xi32, #tpu.memory_space<vmem>>, vector<16xi32>,
      %get3A_133 = arith.constant 0 : i32
      %get3A_134 = tpu.memref_slice %arg9[%add3A_112, %get3A_133] : memref<194x64xi32, #tpu.memory_space<vmem>> -> memref<1x64xi32, #tpu.memory_space<vmem>>
      %get3A_135 = tpu.memref_squeeze %get3A_134 : memref<1x64xi32, #tpu.memory_space<vmem>> -> memref<64xi32, #tpu.memory_space<vmem>>
      %get3A_136 = arith.constant 16 : index
      %get3A_137 = tpu.vector_load %get3A_135[%get3A_136] {strides = array<i32>} : memref<64xi32, #tpu.memory_space<vmem>>, vector<16xi32>,
      %get3A_138 = vector.shape_cast %get3A_137 : vector<16xi32> to vector<16xi32>
      %and3A_139 = arith.constant 16383 : i32
      %and3A_140 = vector.broadcast %and3A_139 : i32 to vector<16xi32>
      %and3A_141 = arith.andi %get3A_138, %and3A_140 : vector<16xi32>
      %swap3A_142 = arith.constant 16 : index
      %swap3A_143 = tpu.vector_load %arg12[%swap3A_142] {strides = array<i32>} : memref<64xi32, #tpu.memory_space<vmem>>, vector<16xi32>,
      %swap3A_144 = vector.shape_cast %swap3A_143 : vector<16xi32> to vector<16xi32>
      %swap3A_145 = vector.shape_cast %and3A_141 : vector<16xi32> to vector<16xi32>
      tpu.vector_store %arg12[%swap3A_142], %swap3A_145 {strides = array<i32>} : memref<64xi32, #tpu.memory_space<vmem>>, vector<16xi32>,
      %shift_right_logical3A_146 = arith.constant 14 : i32
      %shift_right_logical3A_147 = vector.broadcast %shift_right_logical3A_146 : i32 to vector<16xi32>
      %shift_right_logical3A_148 = arith.shrui %get3A_138, %shift_right_logical3A_147 : vector<16xi32>
      %swap3A_149 = arith.constant 16 : index
      %swap3A_150 = tpu.vector_load %arg13[%swap3A_149] {strides = array<i32>} : memref<64xi32, #tpu.memory_space<vmem>>, vector<16xi32>,
      %swap3A_151 = vector.shape_cast %swap3A_150 : vector<16xi32> to vector<16xi32>
      %swap3A_152 = vector.shape_cast %shift_right_logical3A_148 : vector<16xi32> to vector<16xi32>
      tpu.vector_store %arg13[%swap3A_149], %swap3A_152 {strides = array<i32>} : memref<64xi32, #tpu.memory_space<vmem>>, vector<16xi32>,
      %get3A_153 = arith.constant 0 : i32
      %get3A_154 = tpu.memref_slice %arg9[%add3A_112, %get3A_153] : memref<194x64xi32, #tpu.memory_space<vmem>> -> memref<1x64xi32, #tpu.memory_space<vmem>>
      %get3A_155 = tpu.memref_squeeze %get3A_154 : memref<1x64xi32, #tpu.memory_space<vmem>> -> memref<64xi32, #tpu.memory_space<vmem>>
      %get3A_156 = arith.constant 32 : index
      %get3A_157 = tpu.vector_load %get3A_155[%get3A_156] {strides = array<i32>} : memref<64xi32, #tpu.memory_space<vmem>>, vector<16xi32>,
      %get3A_158 = vector.shape_cast %get3A_157 : vector<16xi32> to vector<16xi32>
      %and3A_159 = arith.constant 16383 : i32
      %and3A_160 = vector.broadcast %and3A_159 : i32 to vector<16xi32>
      %and3A_161 = arith.andi %get3A_158, %and3A_160 : vector<16xi32>
      %swap3A_162 = arith.constant 32 : index
      %swap3A_163 = tpu.vector_load %arg12[%swap3A_162] {strides = array<i32>} : memref<64xi32, #tpu.memory_space<vmem>>, vector<16xi32>,
      %swap3A_164 = vector.shape_cast %swap3A_163 : vector<16xi32> to vector<16xi32>
      %swap3A_165 = vector.shape_cast %and3A_161 : vector<16xi32> to vector<16xi32>
      tpu.vector_store %arg12[%swap3A_162], %swap3A_165 {strides = array<i32>} : memref<64xi32, #tpu.memory_space<vmem>>, vector<16xi32>,
      %shift_right_logical3A_166 = arith.constant 14 : i32
      %shift_right_logical3A_167 = vector.broadcast %shift_right_logical3A_166 : i32 to vector<16xi32>
      %shift_right_logical3A_168 = arith.shrui %get3A_158, %shift_right_logical3A_167 : vector<16xi32>
      %swap3A_169 = arith.constant 32 : index
      %swap3A_170 = tpu.vector_load %arg13[%swap3A_169] {strides = array<i32>} : memref<64xi32, #tpu.memory_space<vmem>>, vector<16xi32>,
      %swap3A_171 = vector.shape_cast %swap3A_170 : vector<16xi32> to vector<16xi32>
      %swap3A_172 = vector.shape_cast %shift_right_logical3A_168 : vector<16xi32> to vector<16xi32>
      tpu.vector_store %arg13[%swap3A_169], %swap3A_172 {strides = array<i32>} : memref<64xi32, #tpu.memory_space<vmem>>, vector<16xi32>,
      %get3A_173 = arith.constant 0 : i32
      %get3A_174 = tpu.memref_slice %arg9[%add3A_112, %get3A_173] : memref<194x64xi32, #tpu.memory_space<vmem>> -> memref<1x64xi32, #tpu.memory_space<vmem>>
      %get3A_175 = tpu.memref_squeeze %get3A_174 : memref<1x64xi32, #tpu.memory_space<vmem>> -> memref<64xi32, #tpu.memory_space<vmem>>
      %get3A_176 = arith.constant 48 : index
      %get3A_177 = tpu.vector_load %get3A_175[%get3A_176] {strides = array<i32>} : memref<64xi32, #tpu.memory_space<vmem>>, vector<16xi32>,
      %get3A_178 = vector.shape_cast %get3A_177 : vector<16xi32> to vector<16xi32>
      %and3A_179 = arith.constant 16383 : i32
      %and3A_180 = vector.broadcast %and3A_179 : i32 to vector<16xi32>
      %and3A_181 = arith.andi %get3A_178, %and3A_180 : vector<16xi32>
      %swap3A_182 = arith.constant 48 : index
      %swap3A_183 = tpu.vector_load %arg12[%swap3A_182] {strides = array<i32>} : memref<64xi32, #tpu.memory_space<vmem>>, vector<16xi32>,
      %swap3A_184 = vector.shape_cast %swap3A_183 : vector<16xi32> to vector<16xi32>
      %swap3A_185 = vector.shape_cast %and3A_181 : vector<16xi32> to vector<16xi32>
      tpu.vector_store %arg12[%swap3A_182], %swap3A_185 {strides = array<i32>} : memref<64xi32, #tpu.memory_space<vmem>>, vector<16xi32>,
      %shift_right_logical3A_186 = arith.constant 14 : i32
      %shift_right_logical3A_187 = vector.broadcast %shift_right_logical3A_186 : i32 to vector<16xi32>
      %shift_right_logical3A_188 = arith.shrui %get3A_178, %shift_right_logical3A_187 : vector<16xi32>
      %swap3A_189 = arith.constant 48 : index
      %swap3A_190 = tpu.vector_load %arg13[%swap3A_189] {strides = array<i32>} : memref<64xi32, #tpu.memory_space<vmem>>, vector<16xi32>,
      %swap3A_191 = vector.shape_cast %swap3A_190 : vector<16xi32> to vector<16xi32>
      %swap3A_192 = vector.shape_cast %shift_right_logical3A_188 : vector<16xi32> to vector<16xi32>
      tpu.vector_store %arg13[%swap3A_189], %swap3A_192 {strides = array<i32>} : memref<64xi32, #tpu.memory_space<vmem>>, vector<16xi32>,
      %dma_start3A_193 = arith.constant 0 : i32
      %dma_start3A_194 = arith.constant 0 : i32
      %dma_start3A_195 = tpu.memref_slice %arg2[%dma_start3A_193, %dma_start3A_194] : memref<10000x128xf32, #tpu.memory_space<hbm>> -> memref<10000x128xf32, #tpu.memory_space<hbm>>
      tpu.enqueue_indirect_dma source(%dma_start3A_195 : memref<10000x128xf32, #tpu.memory_space<hbm>>) target(%arg15 : memref<64x128xf32, #tpu.memory_space<vmem>>) offsets(%arg12 : memref<64xi32, #tpu.memory_space<vmem>>) semaphore(%arg18 : memref<!tpu.dma_semaphore, #tpu.memory_space<semaphore_mem>>)
      %dma_wait3A = arith.constant 0 : i32
      %dma_wait3A_196 = arith.constant 0 : i32
      %dma_wait3A_197 = tpu.memref_slice %arg2[%dma_wait3A, %dma_wait3A_196] : memref<10000x128xf32, #tpu.memory_space<hbm>> -> memref<10000x128xf32, #tpu.memory_space<hbm>>
      tpu.wait_indirect_dma semaphore(%arg17 : memref<!tpu.dma_semaphore, #tpu.memory_space<semaphore_mem>>) src(%dma_wait3A_197 : memref<10000x128xf32, #tpu.memory_space<hbm>>) dst(%arg14 : memref<64x128xf32, #tpu.memory_space<vmem>>)
      "tpu.region"() ({
        %run_scoped3A = tpu.sem_alloc : memref<!tpu.dma_semaphore, #tpu.memory_space<semaphore_mem>>
        %dma_start3A_204 = arith.constant 0 : i32
        %dma_start3A_205 = arith.constant 0 : i32
        %dma_start3A_206 = tpu.memref_slice %arg16[%dma_start3A_204, %dma_start3A_205] : memref<10112x128xf32, #tpu.memory_space<vmem_shared>> -> memref<10112x128xf32, #tpu.memory_space<vmem_shared>>
        tpu.enqueue_indirect_dma source(%arg14 : memref<64x128xf32, #tpu.memory_space<vmem>>) target(%dma_start3A_206 : memref<10112x128xf32, #tpu.memory_space<vmem_shared>>) offsets(%arg11 : memref<64xi32, #tpu.memory_space<vmem>>) semaphore(%run_scoped3A : memref<!tpu.dma_semaphore, #tpu.memory_space<semaphore_mem>>) {add = true}
        %dma_wait3A_207 = arith.constant 0 : i32
        %dma_wait3A_208 = arith.constant 0 : i32
        %dma_wait3A_209 = tpu.memref_slice %arg16[%dma_wait3A_207, %dma_wait3A_208] : memref<10112x128xf32, #tpu.memory_space<vmem_shared>> -> memref<10112x128xf32, #tpu.memory_space<vmem_shared>>
        tpu.wait_indirect_dma semaphore(%run_scoped3A : memref<!tpu.dma_semaphore, #tpu.memory_space<semaphore_mem>>) src(%arg14 : memref<64x128xf32, #tpu.memory_space<vmem>>) dst(%dma_wait3A_209 : memref<10112x128xf32, #tpu.memory_space<vmem_shared>>)
        tpu.yield
      }) : () -> ()
      "tpu.region"() ({
        %run_scoped3A = tpu.sem_alloc : memref<!tpu.dma_semaphore, #tpu.memory_space<semaphore_mem>>
        %dma_start3A_204 = arith.constant 0 : i32
        %dma_start3A_205 = arith.constant 0 : i32
        %dma_start3A_206 = tpu.memref_slice %arg20[%dma_start3A_204, %dma_start3A_205] : memref<10112x16xf32, #tpu.memory_space<vmem_shared>> -> memref<10112x16xf32, #tpu.memory_space<vmem_shared>>
        tpu.enqueue_indirect_dma source(%arg19 : memref<64x16xf32, #tpu.memory_space<vmem>>) target(%dma_start3A_206 : memref<10112x16xf32, #tpu.memory_space<vmem_shared>>) offsets(%arg11 : memref<64xi32, #tpu.memory_space<vmem>>) semaphore(%run_scoped3A : memref<!tpu.dma_semaphore, #tpu.memory_space<semaphore_mem>>) {add = true}
        %dma_wait3A_207 = arith.constant 0 : i32
        %dma_wait3A_208 = arith.constant 0 : i32
        %dma_wait3A_209 = tpu.memref_slice %arg20[%dma_wait3A_207, %dma_wait3A_208] : memref<10112x16xf32, #tpu.memory_space<vmem_shared>> -> memref<10112x16xf32, #tpu.memory_space<vmem_shared>>
        tpu.wait_indirect_dma semaphore(%run_scoped3A : memref<!tpu.dma_semaphore, #tpu.memory_space<semaphore_mem>>) src(%arg19 : memref<64x16xf32, #tpu.memory_space<vmem>>) dst(%dma_wait3A_209 : memref<10112x16xf32, #tpu.memory_space<vmem_shared>>)
        tpu.yield
      }) : () -> ()
      %add3A_198 = arith.constant 2 : i32
      %add3A_199 = arith.addi %mul3A_110, %add3A_198 : i32
      %lt3A = arith.cmpi slt, %add3A_199, %select_n3A_15 : i32
      %convert_element_type3A = arith.extui %lt3A : i1 to i32
      %cond3A = arith.constant 0 : i32
      %cond3A_200 = arith.cmpi ne, %convert_element_type3A, %cond3A : i32
      scf.if %cond3A_200 {
        %add3A_204 = arith.constant 2 : i32
        %add3A_205 = arith.addi %mul3A_110, %add3A_204 : i32
        %get3A_206 = arith.constant 0 : i32
        %get3A_207 = tpu.memref_slice %arg9[%add3A_205, %get3A_206] : memref<194x64xi32, #tpu.memory_space<vmem>> -> memref<1x64xi32, #tpu.memory_space<vmem>>
        %get3A_208 = tpu.memref_squeeze %get3A_207 : memref<1x64xi32, #tpu.memory_space<vmem>> -> memref<64xi32, #tpu.memory_space<vmem>>
        %get3A_209 = arith.constant 0 : index
        %get3A_210 = tpu.vector_load %get3A_208[%get3A_209] {strides = array<i32>} : memref<64xi32, #tpu.memory_space<vmem>>, vector<16xi32>,
        %get3A_211 = vector.shape_cast %get3A_210 : vector<16xi32> to vector<16xi32>
        %and3A_212 = arith.constant 16383 : i32
        %and3A_213 = vector.broadcast %and3A_212 : i32 to vector<16xi32>
        %and3A_214 = arith.andi %get3A_211, %and3A_213 : vector<16xi32>
        %swap3A_215 = arith.constant 0 : index
        %swap3A_216 = tpu.vector_load %arg10[%swap3A_215] {strides = array<i32>} : memref<64xi32, #tpu.memory_space<vmem>>, vector<16xi32>,
        %swap3A_217 = vector.shape_cast %swap3A_216 : vector<16xi32> to vector<16xi32>
        %swap3A_218 = vector.shape_cast %and3A_214 : vector<16xi32> to vector<16xi32>
        tpu.vector_store %arg10[%swap3A_215], %swap3A_218 {strides = array<i32>} : memref<64xi32, #tpu.memory_space<vmem>>, vector<16xi32>,
        %shift_right_logical3A_219 = arith.constant 14 : i32
        %shift_right_logical3A_220 = vector.broadcast %shift_right_logical3A_219 : i32 to vector<16xi32>
        %shift_right_logical3A_221 = arith.shrui %get3A_211, %shift_right_logical3A_220 : vector<16xi32>
        %swap3A_222 = arith.constant 0 : index
        %swap3A_223 = tpu.vector_load %arg11[%swap3A_222] {strides = array<i32>} : memref<64xi32, #tpu.memory_space<vmem>>, vector<16xi32>,
        %swap3A_224 = vector.shape_cast %swap3A_223 : vector<16xi32> to vector<16xi32>
        %swap3A_225 = vector.shape_cast %shift_right_logical3A_221 : vector<16xi32> to vector<16xi32>
        tpu.vector_store %arg11[%swap3A_222], %swap3A_225 {strides = array<i32>} : memref<64xi32, #tpu.memory_space<vmem>>, vector<16xi32>,
        %get3A_226 = arith.constant 0 : i32
        %get3A_227 = tpu.memref_slice %arg9[%add3A_205, %get3A_226] : memref<194x64xi32, #tpu.memory_space<vmem>> -> memref<1x64xi32, #tpu.memory_space<vmem>>
        %get3A_228 = tpu.memref_squeeze %get3A_227 : memref<1x64xi32, #tpu.memory_space<vmem>> -> memref<64xi32, #tpu.memory_space<vmem>>
        %get3A_229 = arith.constant 16 : index
        %get3A_230 = tpu.vector_load %get3A_228[%get3A_229] {strides = array<i32>} : memref<64xi32, #tpu.memory_space<vmem>>, vector<16xi32>,
        %get3A_231 = vector.shape_cast %get3A_230 : vector<16xi32> to vector<16xi32>
        %and3A_232 = arith.constant 16383 : i32
        %and3A_233 = vector.broadcast %and3A_232 : i32 to vector<16xi32>
        %and3A_234 = arith.andi %get3A_231, %and3A_233 : vector<16xi32>
        %swap3A_235 = arith.constant 16 : index
        %swap3A_236 = tpu.vector_load %arg10[%swap3A_235] {strides = array<i32>} : memref<64xi32, #tpu.memory_space<vmem>>, vector<16xi32>,
        %swap3A_237 = vector.shape_cast %swap3A_236 : vector<16xi32> to vector<16xi32>
        %swap3A_238 = vector.shape_cast %and3A_234 : vector<16xi32> to vector<16xi32>
        tpu.vector_store %arg10[%swap3A_235], %swap3A_238 {strides = array<i32>} : memref<64xi32, #tpu.memory_space<vmem>>, vector<16xi32>,
        %shift_right_logical3A_239 = arith.constant 14 : i32
        %shift_right_logical3A_240 = vector.broadcast %shift_right_logical3A_239 : i32 to vector<16xi32>
        %shift_right_logical3A_241 = arith.shrui %get3A_231, %shift_right_logical3A_240 : vector<16xi32>
        %swap3A_242 = arith.constant 16 : index
        %swap3A_243 = tpu.vector_load %arg11[%swap3A_242] {strides = array<i32>} : memref<64xi32, #tpu.memory_space<vmem>>, vector<16xi32>,
        %swap3A_244 = vector.shape_cast %swap3A_243 : vector<16xi32> to vector<16xi32>
        %swap3A_245 = vector.shape_cast %shift_right_logical3A_241 : vector<16xi32> to vector<16xi32>
        tpu.vector_store %arg11[%swap3A_242], %swap3A_245 {strides = array<i32>} : memref<64xi32, #tpu.memory_space<vmem>>, vector<16xi32>,
        %get3A_246 = arith.constant 0 : i32
        %get3A_247 = tpu.memref_slice %arg9[%add3A_205, %get3A_246] : memref<194x64xi32, #tpu.memory_space<vmem>> -> memref<1x64xi32, #tpu.memory_space<vmem>>
        %get3A_248 = tpu.memref_squeeze %get3A_247 : memref<1x64xi32, #tpu.memory_space<vmem>> -> memref<64xi32, #tpu.memory_space<vmem>>
        %get3A_249 = arith.constant 32 : index
        %get3A_250 = tpu.vector_load %get3A_248[%get3A_249] {strides = array<i32>} : memref<64xi32, #tpu.memory_space<vmem>>, vector<16xi32>,
        %get3A_251 = vector.shape_cast %get3A_250 : vector<16xi32> to vector<16xi32>
        %and3A_252 = arith.constant 16383 : i32
        %and3A_253 = vector.broadcast %and3A_252 : i32 to vector<16xi32>
        %and3A_254 = arith.andi %get3A_251, %and3A_253 : vector<16xi32>
        %swap3A_255 = arith.constant 32 : index
        %swap3A_256 = tpu.vector_load %arg10[%swap3A_255] {strides = array<i32>} : memref<64xi32, #tpu.memory_space<vmem>>, vector<16xi32>,
        %swap3A_257 = vector.shape_cast %swap3A_256 : vector<16xi32> to vector<16xi32>
        %swap3A_258 = vector.shape_cast %and3A_254 : vector<16xi32> to vector<16xi32>
        tpu.vector_store %arg10[%swap3A_255], %swap3A_258 {strides = array<i32>} : memref<64xi32, #tpu.memory_space<vmem>>, vector<16xi32>,
        %shift_right_logical3A_259 = arith.constant 14 : i32
        %shift_right_logical3A_260 = vector.broadcast %shift_right_logical3A_259 : i32 to vector<16xi32>
        %shift_right_logical3A_261 = arith.shrui %get3A_251, %shift_right_logical3A_260 : vector<16xi32>
        %swap3A_262 = arith.constant 32 : index
        %swap3A_263 = tpu.vector_load %arg11[%swap3A_262] {strides = array<i32>} : memref<64xi32, #tpu.memory_space<vmem>>, vector<16xi32>,
        %swap3A_264 = vector.shape_cast %swap3A_263 : vector<16xi32> to vector<16xi32>
        %swap3A_265 = vector.shape_cast %shift_right_logical3A_261 : vector<16xi32> to vector<16xi32>
        tpu.vector_store %arg11[%swap3A_262], %swap3A_265 {strides = array<i32>} : memref<64xi32, #tpu.memory_space<vmem>>, vector<16xi32>,
        %get3A_266 = arith.constant 0 : i32
        %get3A_267 = tpu.memref_slice %arg9[%add3A_205, %get3A_266] : memref<194x64xi32, #tpu.memory_space<vmem>> -> memref<1x64xi32, #tpu.memory_space<vmem>>
        %get3A_268 = tpu.memref_squeeze %get3A_267 : memref<1x64xi32, #tpu.memory_space<vmem>> -> memref<64xi32, #tpu.memory_space<vmem>>
        %get3A_269 = arith.constant 48 : index
        %get3A_270 = tpu.vector_load %get3A_268[%get3A_269] {strides = array<i32>} : memref<64xi32, #tpu.memory_space<vmem>>, vector<16xi32>,
        %get3A_271 = vector.shape_cast %get3A_270 : vector<16xi32> to vector<16xi32>
        %and3A_272 = arith.constant 16383 : i32
        %and3A_273 = vector.broadcast %and3A_272 : i32 to vector<16xi32>
        %and3A_274 = arith.andi %get3A_271, %and3A_273 : vector<16xi32>
        %swap3A_275 = arith.constant 48 : index
        %swap3A_276 = tpu.vector_load %arg10[%swap3A_275] {strides = array<i32>} : memref<64xi32, #tpu.memory_space<vmem>>, vector<16xi32>,
        %swap3A_277 = vector.shape_cast %swap3A_276 : vector<16xi32> to vector<16xi32>
        %swap3A_278 = vector.shape_cast %and3A_274 : vector<16xi32> to vector<16xi32>
        tpu.vector_store %arg10[%swap3A_275], %swap3A_278 {strides = array<i32>} : memref<64xi32, #tpu.memory_space<vmem>>, vector<16xi32>,
        %shift_right_logical3A_279 = arith.constant 14 : i32
        %shift_right_logical3A_280 = vector.broadcast %shift_right_logical3A_279 : i32 to vector<16xi32>
        %shift_right_logical3A_281 = arith.shrui %get3A_271, %shift_right_logical3A_280 : vector<16xi32>
        %swap3A_282 = arith.constant 48 : index
        %swap3A_283 = tpu.vector_load %arg11[%swap3A_282] {strides = array<i32>} : memref<64xi32, #tpu.memory_space<vmem>>, vector<16xi32>,
        %swap3A_284 = vector.shape_cast %swap3A_283 : vector<16xi32> to vector<16xi32>
        %swap3A_285 = vector.shape_cast %shift_right_logical3A_281 : vector<16xi32> to vector<16xi32>
        tpu.vector_store %arg11[%swap3A_282], %swap3A_285 {strides = array<i32>} : memref<64xi32, #tpu.memory_space<vmem>>, vector<16xi32>,
        %dma_start3A_286 = arith.constant 0 : i32
        %dma_start3A_287 = arith.constant 0 : i32
        %dma_start3A_288 = tpu.memref_slice %arg2[%dma_start3A_286, %dma_start3A_287] : memref<10000x128xf32, #tpu.memory_space<hbm>> -> memref<10000x128xf32, #tpu.memory_space<hbm>>
        tpu.enqueue_indirect_dma source(%dma_start3A_288 : memref<10000x128xf32, #tpu.memory_space<hbm>>) target(%arg14 : memref<64x128xf32, #tpu.memory_space<vmem>>) offsets(%arg10 : memref<64xi32, #tpu.memory_space<vmem>>) semaphore(%arg17 : memref<!tpu.dma_semaphore, #tpu.memory_space<semaphore_mem>>)
      } else {
      }
      %dma_wait3A_201 = arith.constant 0 : i32
      %dma_wait3A_202 = arith.constant 0 : i32
      %dma_wait3A_203 = tpu.memref_slice %arg2[%dma_wait3A_201, %dma_wait3A_202] : memref<10000x128xf32, #tpu.memory_space<hbm>> -> memref<10000x128xf32, #tpu.memory_space<hbm>>
      tpu.wait_indirect_dma semaphore(%arg18 : memref<!tpu.dma_semaphore, #tpu.memory_space<semaphore_mem>>) src(%dma_wait3A_203 : memref<10000x128xf32, #tpu.memory_space<hbm>>) dst(%arg15 : memref<64x128xf32, #tpu.memory_space<vmem>>)
      "tpu.region"() ({
        %run_scoped3A = tpu.sem_alloc : memref<!tpu.dma_semaphore, #tpu.memory_space<semaphore_mem>>
        %dma_start3A_204 = arith.constant 0 : i32
        %dma_start3A_205 = arith.constant 0 : i32
        %dma_start3A_206 = tpu.memref_slice %arg16[%dma_start3A_204, %dma_start3A_205] : memref<10112x128xf32, #tpu.memory_space<vmem_shared>> -> memref<10112x128xf32, #tpu.memory_space<vmem_shared>>
        tpu.enqueue_indirect_dma source(%arg15 : memref<64x128xf32, #tpu.memory_space<vmem>>) target(%dma_start3A_206 : memref<10112x128xf32, #tpu.memory_space<vmem_shared>>) offsets(%arg13 : memref<64xi32, #tpu.memory_space<vmem>>) semaphore(%run_scoped3A : memref<!tpu.dma_semaphore, #tpu.memory_space<semaphore_mem>>) {add = true}
        %dma_wait3A_207 = arith.constant 0 : i32
        %dma_wait3A_208 = arith.constant 0 : i32
        %dma_wait3A_209 = tpu.memref_slice %arg16[%dma_wait3A_207, %dma_wait3A_208] : memref<10112x128xf32, #tpu.memory_space<vmem_shared>> -> memref<10112x128xf32, #tpu.memory_space<vmem_shared>>
        tpu.wait_indirect_dma semaphore(%run_scoped3A : memref<!tpu.dma_semaphore, #tpu.memory_space<semaphore_mem>>) src(%arg15 : memref<64x128xf32, #tpu.memory_space<vmem>>) dst(%dma_wait3A_209 : memref<10112x128xf32, #tpu.memory_space<vmem_shared>>)
        tpu.yield
      }) : () -> ()
      "tpu.region"() ({
        %run_scoped3A = tpu.sem_alloc : memref<!tpu.dma_semaphore, #tpu.memory_space<semaphore_mem>>
        %dma_start3A_204 = arith.constant 0 : i32
        %dma_start3A_205 = arith.constant 0 : i32
        %dma_start3A_206 = tpu.memref_slice %arg20[%dma_start3A_204, %dma_start3A_205] : memref<10112x16xf32, #tpu.memory_space<vmem_shared>> -> memref<10112x16xf32, #tpu.memory_space<vmem_shared>>
        tpu.enqueue_indirect_dma source(%arg19 : memref<64x16xf32, #tpu.memory_space<vmem>>) target(%dma_start3A_206 : memref<10112x16xf32, #tpu.memory_space<vmem_shared>>) offsets(%arg13 : memref<64xi32, #tpu.memory_space<vmem>>) semaphore(%run_scoped3A : memref<!tpu.dma_semaphore, #tpu.memory_space<semaphore_mem>>) {add = true}
        %dma_wait3A_207 = arith.constant 0 : i32
        %dma_wait3A_208 = arith.constant 0 : i32
        %dma_wait3A_209 = tpu.memref_slice %arg20[%dma_wait3A_207, %dma_wait3A_208] : memref<10112x16xf32, #tpu.memory_space<vmem_shared>> -> memref<10112x16xf32, #tpu.memory_space<vmem_shared>>
        tpu.wait_indirect_dma semaphore(%run_scoped3A : memref<!tpu.dma_semaphore, #tpu.memory_space<semaphore_mem>>) src(%arg19 : memref<64x16xf32, #tpu.memory_space<vmem>>) dst(%dma_wait3A_209 : memref<10112x16xf32, #tpu.memory_space<vmem_shared>>)
        tpu.yield
      }) : () -> ()
    }
    %while3A_106 = arith.constant 1 : i32
    scf.for %while3A_108 = %while3A_104 to %while3A_100 step %while3A_106  : i32 {
      %mul3A_109 = arith.constant 2 : i32
      %mul3A_110 = arith.muli %mul3A_109, %while3A_108 : i32
      %add3A_111 = arith.constant 1 : i32
      %add3A_112 = arith.addi %mul3A_110, %add3A_111 : i32
      %get3A_113 = arith.constant 0 : i32
      %get3A_114 = tpu.memref_slice %arg9[%add3A_112, %get3A_113] : memref<194x64xi32, #tpu.memory_space<vmem>> -> memref<1x64xi32, #tpu.memory_space<vmem>>
      %get3A_115 = tpu.memref_squeeze %get3A_114 : memref<1x64xi32, #tpu.memory_space<vmem>> -> memref<64xi32, #tpu.memory_space<vmem>>
      %get3A_116 = arith.constant 0 : index
      %get3A_117 = tpu.vector_load %get3A_115[%get3A_116] {strides = array<i32>} : memref<64xi32, #tpu.memory_space<vmem>>, vector<16xi32>,
      %get3A_118 = vector.shape_cast %get3A_117 : vector<16xi32> to vector<16xi32>
      %and3A_119 = arith.constant 16383 : i32
      %and3A_120 = vector.broadcast %and3A_119 : i32 to vector<16xi32>
      %and3A_121 = arith.andi %get3A_118, %and3A_120 : vector<16xi32>
      %swap3A_122 = arith.constant 0 : index
      %swap3A_123 = tpu.vector_load %arg12[%swap3A_122] {strides = array<i32>} : memref<64xi32, #tpu.memory_space<vmem>>, vector<16xi32>,
      %swap3A_124 = vector.shape_cast %swap3A_123 : vector<16xi32> to vector<16xi32>
      %swap3A_125 = vector.shape_cast %and3A_121 : vector<16xi32> to vector<16xi32>
      tpu.vector_store %arg12[%swap3A_122], %swap3A_125 {strides = array<i32>} : memref<64xi32, #tpu.memory_space<vmem>>, vector<16xi32>,
      %shift_right_logical3A_126 = arith.constant 14 : i32
      %shift_right_logical3A_127 = vector.broadcast %shift_right_logical3A_126 : i32 to vector<16xi32>
      %shift_right_logical3A_128 = arith.shrui %get3A_118, %shift_right_logical3A_127 : vector<16xi32>
      %swap3A_129 = arith.constant 0 : index
      %swap3A_130 = tpu.vector_load %arg13[%swap3A_129] {strides = array<i32>} : memref<64xi32, #tpu.memory_space<vmem>>, vector<16xi32>,
      %swap3A_131 = vector.shape_cast %swap3A_130 : vector<16xi32> to vector<16xi32>
      %swap3A_132 = vector.shape_cast %shift_right_logical3A_128 : vector<16xi32> to vector<16xi32>
      tpu.vector_store %arg13[%swap3A_129], %swap3A_132 {strides = array<i32>} : memref<64xi32, #tpu.memory_space<vmem>>, vector<16xi32>,
      %get3A_133 = arith.constant 0 : i32
      %get3A_134 = tpu.memref_slice %arg9[%add3A_112, %get3A_133] : memref<194x64xi32, #tpu.memory_space<vmem>> -> memref<1x64xi32, #tpu.memory_space<vmem>>
      %get3A_135 = tpu.memref_squeeze %get3A_134 : memref<1x64xi32, #tpu.memory_space<vmem>> -> memref<64xi32, #tpu.memory_space<vmem>>
      %get3A_136 = arith.constant 16 : index
      %get3A_137 = tpu.vector_load %get3A_135[%get3A_136] {strides = array<i32>} : memref<64xi32, #tpu.memory_space<vmem>>, vector<16xi32>,
      %get3A_138 = vector.shape_cast %get3A_137 : vector<16xi32> to vector<16xi32>
      %and3A_139 = arith.constant 16383 : i32
      %and3A_140 = vector.broadcast %and3A_139 : i32 to vector<16xi32>
      %and3A_141 = arith.andi %get3A_138, %and3A_140 : vector<16xi32>
      %swap3A_142 = arith.constant 16 : index
      %swap3A_143 = tpu.vector_load %arg12[%swap3A_142] {strides = array<i32>} : memref<64xi32, #tpu.memory_space<vmem>>, vector<16xi32>,
      %swap3A_144 = vector.shape_cast %swap3A_143 : vector<16xi32> to vector<16xi32>
      %swap3A_145 = vector.shape_cast %and3A_141 : vector<16xi32> to vector<16xi32>
      tpu.vector_store %arg12[%swap3A_142], %swap3A_145 {strides = array<i32>} : memref<64xi32, #tpu.memory_space<vmem>>, vector<16xi32>,
      %shift_right_logical3A_146 = arith.constant 14 : i32
      %shift_right_logical3A_147 = vector.broadcast %shift_right_logical3A_146 : i32 to vector<16xi32>
      %shift_right_logical3A_148 = arith.shrui %get3A_138, %shift_right_logical3A_147 : vector<16xi32>
      %swap3A_149 = arith.constant 16 : index
      %swap3A_150 = tpu.vector_load %arg13[%swap3A_149] {strides = array<i32>} : memref<64xi32, #tpu.memory_space<vmem>>, vector<16xi32>,
      %swap3A_151 = vector.shape_cast %swap3A_150 : vector<16xi32> to vector<16xi32>
      %swap3A_152 = vector.shape_cast %shift_right_logical3A_148 : vector<16xi32> to vector<16xi32>
      tpu.vector_store %arg13[%swap3A_149], %swap3A_152 {strides = array<i32>} : memref<64xi32, #tpu.memory_space<vmem>>, vector<16xi32>,
      %get3A_153 = arith.constant 0 : i32
      %get3A_154 = tpu.memref_slice %arg9[%add3A_112, %get3A_153] : memref<194x64xi32, #tpu.memory_space<vmem>> -> memref<1x64xi32, #tpu.memory_space<vmem>>
      %get3A_155 = tpu.memref_squeeze %get3A_154 : memref<1x64xi32, #tpu.memory_space<vmem>> -> memref<64xi32, #tpu.memory_space<vmem>>
      %get3A_156 = arith.constant 32 : index
      %get3A_157 = tpu.vector_load %get3A_155[%get3A_156] {strides = array<i32>} : memref<64xi32, #tpu.memory_space<vmem>>, vector<16xi32>,
      %get3A_158 = vector.shape_cast %get3A_157 : vector<16xi32> to vector<16xi32>
      %and3A_159 = arith.constant 16383 : i32
      %and3A_160 = vector.broadcast %and3A_159 : i32 to vector<16xi32>
      %and3A_161 = arith.andi %get3A_158, %and3A_160 : vector<16xi32>
      %swap3A_162 = arith.constant 32 : index
      %swap3A_163 = tpu.vector_load %arg12[%swap3A_162] {strides = array<i32>} : memref<64xi32, #tpu.memory_space<vmem>>, vector<16xi32>,
      %swap3A_164 = vector.shape_cast %swap3A_163 : vector<16xi32> to vector<16xi32>
      %swap3A_165 = vector.shape_cast %and3A_161 : vector<16xi32> to vector<16xi32>
      tpu.vector_store %arg12[%swap3A_162], %swap3A_165 {strides = array<i32>} : memref<64xi32, #tpu.memory_space<vmem>>, vector<16xi32>,
      %shift_right_logical3A_166 = arith.constant 14 : i32
      %shift_right_logical3A_167 = vector.broadcast %shift_right_logical3A_166 : i32 to vector<16xi32>
      %shift_right_logical3A_168 = arith.shrui %get3A_158, %shift_right_logical3A_167 : vector<16xi32>
      %swap3A_169 = arith.constant 32 : index
      %swap3A_170 = tpu.vector_load %arg13[%swap3A_169] {strides = array<i32>} : memref<64xi32, #tpu.memory_space<vmem>>, vector<16xi32>,
      %swap3A_171 = vector.shape_cast %swap3A_170 : vector<16xi32> to vector<16xi32>
      %swap3A_172 = vector.shape_cast %shift_right_logical3A_168 : vector<16xi32> to vector<16xi32>
      tpu.vector_store %arg13[%swap3A_169], %swap3A_172 {strides = array<i32>} : memref<64xi32, #tpu.memory_space<vmem>>, vector<16xi32>,
      %get3A_173 = arith.constant 0 : i32
      %get3A_174 = tpu.memref_slice %arg9[%add3A_112, %get3A_173] : memref<194x64xi32, #tpu.memory_space<vmem>> -> memref<1x64xi32, #tpu.memory_space<vmem>>
      %get3A_175 = tpu.memref_squeeze %get3A_174 : memref<1x64xi32, #tpu.memory_space<vmem>> -> memref<64xi32, #tpu.memory_space<vmem>>
      %get3A_176 = arith.constant 48 : index
      %get3A_177 = tpu.vector_load %get3A_175[%get3A_176] {strides = array<i32>} : memref<64xi32, #tpu.memory_space<vmem>>, vector<16xi32>,
      %get3A_178 = vector.shape_cast %get3A_177 : vector<16xi32> to vector<16xi32>
      %and3A_179 = arith.constant 16383 : i32
      %and3A_180 = vector.broadcast %and3A_179 : i32 to vector<16xi32>
      %and3A_181 = arith.andi %get3A_178, %and3A_180 : vector<16xi32>
      %swap3A_182 = arith.constant 48 : index
      %swap3A_183 = tpu.vector_load %arg12[%swap3A_182] {strides = array<i32>} : memref<64xi32, #tpu.memory_space<vmem>>, vector<16xi32>,
      %swap3A_184 = vector.shape_cast %swap3A_183 : vector<16xi32> to vector<16xi32>
      %swap3A_185 = vector.shape_cast %and3A_181 : vector<16xi32> to vector<16xi32>
      tpu.vector_store %arg12[%swap3A_182], %swap3A_185 {strides = array<i32>} : memref<64xi32, #tpu.memory_space<vmem>>, vector<16xi32>,
      %shift_right_logical3A_186 = arith.constant 14 : i32
      %shift_right_logical3A_187 = vector.broadcast %shift_right_logical3A_186 : i32 to vector<16xi32>
      %shift_right_logical3A_188 = arith.shrui %get3A_178, %shift_right_logical3A_187 : vector<16xi32>
      %swap3A_189 = arith.constant 48 : index
      %swap3A_190 = tpu.vector_load %arg13[%swap3A_189] {strides = array<i32>} : memref<64xi32, #tpu.memory_space<vmem>>, vector<16xi32>,
      %swap3A_191 = vector.shape_cast %swap3A_190 : vector<16xi32> to vector<16xi32>
      %swap3A_192 = vector.shape_cast %shift_right_logical3A_188 : vector<16xi32> to vector<16xi32>
      tpu.vector_store %arg13[%swap3A_189], %swap3A_192 {strides = array<i32>} : memref<64xi32, #tpu.memory_space<vmem>>, vector<16xi32>,
      %dma_start3A_193 = arith.constant 0 : i32
      %dma_start3A_194 = arith.constant 0 : i32
      %dma_start3A_195 = tpu.memref_slice %arg2[%dma_start3A_193, %dma_start3A_194] : memref<10000x128xf32, #tpu.memory_space<hbm>> -> memref<10000x128xf32, #tpu.memory_space<hbm>>
      tpu.enqueue_indirect_dma source(%dma_start3A_195 : memref<10000x128xf32, #tpu.memory_space<hbm>>) target(%arg15 : memref<64x128xf32, #tpu.memory_space<vmem>>) offsets(%arg12 : memref<64xi32, #tpu.memory_space<vmem>>) semaphore(%arg18 : memref<!tpu.dma_semaphore, #tpu.memory_space<semaphore_mem>>)
      %dma_wait3A = arith.constant 0 : i32
      %dma_wait3A_196 = arith.constant 0 : i32
      %dma_wait3A_197 = tpu.memref_slice %arg2[%dma_wait3A, %dma_wait3A_196] : memref<10000x128xf32, #tpu.memory_space<hbm>> -> memref<10000x128xf32, #tpu.memory_space<hbm>>
      tpu.wait_indirect_dma semaphore(%arg17 : memref<!tpu.dma_semaphore, #tpu.memory_space<semaphore_mem>>) src(%dma_wait3A_197 : memref<10000x128xf32, #tpu.memory_space<hbm>>) dst(%arg14 : memref<64x128xf32, #tpu.memory_space<vmem>>)
      "tpu.region"() ({
        %run_scoped3A = tpu.sem_alloc : memref<!tpu.dma_semaphore, #tpu.memory_space<semaphore_mem>>
        %dma_start3A_204 = arith.constant 0 : i32
        %dma_start3A_205 = arith.constant 0 : i32
        %dma_start3A_206 = tpu.memref_slice %arg16[%dma_start3A_204, %dma_start3A_205] : memref<10112x128xf32, #tpu.memory_space<vmem_shared>> -> memref<10112x128xf32, #tpu.memory_space<vmem_shared>>
        tpu.enqueue_indirect_dma source(%arg14 : memref<64x128xf32, #tpu.memory_space<vmem>>) target(%dma_start3A_206 : memref<10112x128xf32, #tpu.memory_space<vmem_shared>>) offsets(%arg11 : memref<64xi32, #tpu.memory_space<vmem>>) semaphore(%run_scoped3A : memref<!tpu.dma_semaphore, #tpu.memory_space<semaphore_mem>>) {add = true}
        %dma_wait3A_207 = arith.constant 0 : i32
        %dma_wait3A_208 = arith.constant 0 : i32
        %dma_wait3A_209 = tpu.memref_slice %arg16[%dma_wait3A_207, %dma_wait3A_208] : memref<10112x128xf32, #tpu.memory_space<vmem_shared>> -> memref<10112x128xf32, #tpu.memory_space<vmem_shared>>
        tpu.wait_indirect_dma semaphore(%run_scoped3A : memref<!tpu.dma_semaphore, #tpu.memory_space<semaphore_mem>>) src(%arg14 : memref<64x128xf32, #tpu.memory_space<vmem>>) dst(%dma_wait3A_209 : memref<10112x128xf32, #tpu.memory_space<vmem_shared>>)
        tpu.yield
      }) : () -> ()
      "tpu.region"() ({
        %run_scoped3A = tpu.sem_alloc : memref<!tpu.dma_semaphore, #tpu.memory_space<semaphore_mem>>
        %dma_start3A_204 = arith.constant 0 : i32
        %dma_start3A_205 = arith.constant 0 : i32
        %dma_start3A_206 = tpu.memref_slice %arg20[%dma_start3A_204, %dma_start3A_205] : memref<10112x16xf32, #tpu.memory_space<vmem_shared>> -> memref<10112x16xf32, #tpu.memory_space<vmem_shared>>
        tpu.enqueue_indirect_dma source(%arg19 : memref<64x16xf32, #tpu.memory_space<vmem>>) target(%dma_start3A_206 : memref<10112x16xf32, #tpu.memory_space<vmem_shared>>) offsets(%arg11 : memref<64xi32, #tpu.memory_space<vmem>>) semaphore(%run_scoped3A : memref<!tpu.dma_semaphore, #tpu.memory_space<semaphore_mem>>) {add = true}
        %dma_wait3A_207 = arith.constant 0 : i32
        %dma_wait3A_208 = arith.constant 0 : i32
        %dma_wait3A_209 = tpu.memref_slice %arg20[%dma_wait3A_207, %dma_wait3A_208] : memref<10112x16xf32, #tpu.memory_space<vmem_shared>> -> memref<10112x16xf32, #tpu.memory_space<vmem_shared>>
        tpu.wait_indirect_dma semaphore(%run_scoped3A : memref<!tpu.dma_semaphore, #tpu.memory_space<semaphore_mem>>) src(%arg19 : memref<64x16xf32, #tpu.memory_space<vmem>>) dst(%dma_wait3A_209 : memref<10112x16xf32, #tpu.memory_space<vmem_shared>>)
        tpu.yield
      }) : () -> ()
      %add3A_198 = arith.constant 2 : i32
      %add3A_199 = arith.addi %mul3A_110, %add3A_198 : i32
      %lt3A = arith.cmpi slt, %add3A_199, %select_n3A_15 : i32
      %convert_element_type3A = arith.extui %lt3A : i1 to i32
      %cond3A = arith.constant 0 : i32
      %cond3A_200 = arith.cmpi ne, %convert_element_type3A, %cond3A : i32
      scf.if %cond3A_200 {
        %add3A_204 = arith.constant 2 : i32
        %add3A_205 = arith.addi %mul3A_110, %add3A_204 : i32
        %get3A_206 = arith.constant 0 : i32
        %get3A_207 = tpu.memref_slice %arg9[%add3A_205, %get3A_206] : memref<194x64xi32, #tpu.memory_space<vmem>> -> memref<1x64xi32, #tpu.memory_space<vmem>>
        %get3A_208 = tpu.memref_squeeze %get3A_207 : memref<1x64xi32, #tpu.memory_space<vmem>> -> memref<64xi32, #tpu.memory_space<vmem>>
        %get3A_209 = arith.constant 0 : index
        %get3A_210 = tpu.vector_load %get3A_208[%get3A_209] {strides = array<i32>} : memref<64xi32, #tpu.memory_space<vmem>>, vector<16xi32>,
        %get3A_211 = vector.shape_cast %get3A_210 : vector<16xi32> to vector<16xi32>
        %and3A_212 = arith.constant 16383 : i32
        %and3A_213 = vector.broadcast %and3A_212 : i32 to vector<16xi32>
        %and3A_214 = arith.andi %get3A_211, %and3A_213 : vector<16xi32>
        %swap3A_215 = arith.constant 0 : index
        %swap3A_216 = tpu.vector_load %arg10[%swap3A_215] {strides = array<i32>} : memref<64xi32, #tpu.memory_space<vmem>>, vector<16xi32>,
        %swap3A_217 = vector.shape_cast %swap3A_216 : vector<16xi32> to vector<16xi32>
        %swap3A_218 = vector.shape_cast %and3A_214 : vector<16xi32> to vector<16xi32>
        tpu.vector_store %arg10[%swap3A_215], %swap3A_218 {strides = array<i32>} : memref<64xi32, #tpu.memory_space<vmem>>, vector<16xi32>,
        %shift_right_logical3A_219 = arith.constant 14 : i32
        %shift_right_logical3A_220 = vector.broadcast %shift_right_logical3A_219 : i32 to vector<16xi32>
        %shift_right_logical3A_221 = arith.shrui %get3A_211, %shift_right_logical3A_220 : vector<16xi32>
        %swap3A_222 = arith.constant 0 : index
        %swap3A_223 = tpu.vector_load %arg11[%swap3A_222] {strides = array<i32>} : memref<64xi32, #tpu.memory_space<vmem>>, vector<16xi32>,
        %swap3A_224 = vector.shape_cast %swap3A_223 : vector<16xi32> to vector<16xi32>
        %swap3A_225 = vector.shape_cast %shift_right_logical3A_221 : vector<16xi32> to vector<16xi32>
        tpu.vector_store %arg11[%swap3A_222], %swap3A_225 {strides = array<i32>} : memref<64xi32, #tpu.memory_space<vmem>>, vector<16xi32>,
        %get3A_226 = arith.constant 0 : i32
        %get3A_227 = tpu.memref_slice %arg9[%add3A_205, %get3A_226] : memref<194x64xi32, #tpu.memory_space<vmem>> -> memref<1x64xi32, #tpu.memory_space<vmem>>
        %get3A_228 = tpu.memref_squeeze %get3A_227 : memref<1x64xi32, #tpu.memory_space<vmem>> -> memref<64xi32, #tpu.memory_space<vmem>>
        %get3A_229 = arith.constant 16 : index
        %get3A_230 = tpu.vector_load %get3A_228[%get3A_229] {strides = array<i32>} : memref<64xi32, #tpu.memory_space<vmem>>, vector<16xi32>,
        %get3A_231 = vector.shape_cast %get3A_230 : vector<16xi32> to vector<16xi32>
        %and3A_232 = arith.constant 16383 : i32
        %and3A_233 = vector.broadcast %and3A_232 : i32 to vector<16xi32>
        %and3A_234 = arith.andi %get3A_231, %and3A_233 : vector<16xi32>
        %swap3A_235 = arith.constant 16 : index
        %swap3A_236 = tpu.vector_load %arg10[%swap3A_235] {strides = array<i32>} : memref<64xi32, #tpu.memory_space<vmem>>, vector<16xi32>,
        %swap3A_237 = vector.shape_cast %swap3A_236 : vector<16xi32> to vector<16xi32>
        %swap3A_238 = vector.shape_cast %and3A_234 : vector<16xi32> to vector<16xi32>
        tpu.vector_store %arg10[%swap3A_235], %swap3A_238 {strides = array<i32>} : memref<64xi32, #tpu.memory_space<vmem>>, vector<16xi32>,
        %shift_right_logical3A_239 = arith.constant 14 : i32
        %shift_right_logical3A_240 = vector.broadcast %shift_right_logical3A_239 : i32 to vector<16xi32>
        %shift_right_logical3A_241 = arith.shrui %get3A_231, %shift_right_logical3A_240 : vector<16xi32>
        %swap3A_242 = arith.constant 16 : index
        %swap3A_243 = tpu.vector_load %arg11[%swap3A_242] {strides = array<i32>} : memref<64xi32, #tpu.memory_space<vmem>>, vector<16xi32>,
        %swap3A_244 = vector.shape_cast %swap3A_243 : vector<16xi32> to vector<16xi32>
        %swap3A_245 = vector.shape_cast %shift_right_logical3A_241 : vector<16xi32> to vector<16xi32>
        tpu.vector_store %arg11[%swap3A_242], %swap3A_245 {strides = array<i32>} : memref<64xi32, #tpu.memory_space<vmem>>, vector<16xi32>,
        %get3A_246 = arith.constant 0 : i32
        %get3A_247 = tpu.memref_slice %arg9[%add3A_205, %get3A_246] : memref<194x64xi32, #tpu.memory_space<vmem>> -> memref<1x64xi32, #tpu.memory_space<vmem>>
        %get3A_248 = tpu.memref_squeeze %get3A_247 : memref<1x64xi32, #tpu.memory_space<vmem>> -> memref<64xi32, #tpu.memory_space<vmem>>
        %get3A_249 = arith.constant 32 : index
        %get3A_250 = tpu.vector_load %get3A_248[%get3A_249] {strides = array<i32>} : memref<64xi32, #tpu.memory_space<vmem>>, vector<16xi32>,
        %get3A_251 = vector.shape_cast %get3A_250 : vector<16xi32> to vector<16xi32>
        %and3A_252 = arith.constant 16383 : i32
        %and3A_253 = vector.broadcast %and3A_252 : i32 to vector<16xi32>
        %and3A_254 = arith.andi %get3A_251, %and3A_253 : vector<16xi32>
        %swap3A_255 = arith.constant 32 : index
        %swap3A_256 = tpu.vector_load %arg10[%swap3A_255] {strides = array<i32>} : memref<64xi32, #tpu.memory_space<vmem>>, vector<16xi32>,
        %swap3A_257 = vector.shape_cast %swap3A_256 : vector<16xi32> to vector<16xi32>
        %swap3A_258 = vector.shape_cast %and3A_254 : vector<16xi32> to vector<16xi32>
        tpu.vector_store %arg10[%swap3A_255], %swap3A_258 {strides = array<i32>} : memref<64xi32, #tpu.memory_space<vmem>>, vector<16xi32>,
        %shift_right_logical3A_259 = arith.constant 14 : i32
        %shift_right_logical3A_260 = vector.broadcast %shift_right_logical3A_259 : i32 to vector<16xi32>
        %shift_right_logical3A_261 = arith.shrui %get3A_251, %shift_right_logical3A_260 : vector<16xi32>
        %swap3A_262 = arith.constant 32 : index
        %swap3A_263 = tpu.vector_load %arg11[%swap3A_262] {strides = array<i32>} : memref<64xi32, #tpu.memory_space<vmem>>, vector<16xi32>,
        %swap3A_264 = vector.shape_cast %swap3A_263 : vector<16xi32> to vector<16xi32>
        %swap3A_265 = vector.shape_cast %shift_right_logical3A_261 : vector<16xi32> to vector<16xi32>
        tpu.vector_store %arg11[%swap3A_262], %swap3A_265 {strides = array<i32>} : memref<64xi32, #tpu.memory_space<vmem>>, vector<16xi32>,
        %get3A_266 = arith.constant 0 : i32
        %get3A_267 = tpu.memref_slice %arg9[%add3A_205, %get3A_266] : memref<194x64xi32, #tpu.memory_space<vmem>> -> memref<1x64xi32, #tpu.memory_space<vmem>>
        %get3A_268 = tpu.memref_squeeze %get3A_267 : memref<1x64xi32, #tpu.memory_space<vmem>> -> memref<64xi32, #tpu.memory_space<vmem>>
        %get3A_269 = arith.constant 48 : index
        %get3A_270 = tpu.vector_load %get3A_268[%get3A_269] {strides = array<i32>} : memref<64xi32, #tpu.memory_space<vmem>>, vector<16xi32>,
        %get3A_271 = vector.shape_cast %get3A_270 : vector<16xi32> to vector<16xi32>
        %and3A_272 = arith.constant 16383 : i32
        %and3A_273 = vector.broadcast %and3A_272 : i32 to vector<16xi32>
        %and3A_274 = arith.andi %get3A_271, %and3A_273 : vector<16xi32>
        %swap3A_275 = arith.constant 48 : index
        %swap3A_276 = tpu.vector_load %arg10[%swap3A_275] {strides = array<i32>} : memref<64xi32, #tpu.memory_space<vmem>>, vector<16xi32>,
        %swap3A_277 = vector.shape_cast %swap3A_276 : vector<16xi32> to vector<16xi32>
        %swap3A_278 = vector.shape_cast %and3A_274 : vector<16xi32> to vector<16xi32>
        tpu.vector_store %arg10[%swap3A_275], %swap3A_278 {strides = array<i32>} : memref<64xi32, #tpu.memory_space<vmem>>, vector<16xi32>,
        %shift_right_logical3A_279 = arith.constant 14 : i32
        %shift_right_logical3A_280 = vector.broadcast %shift_right_logical3A_279 : i32 to vector<16xi32>
        %shift_right_logical3A_281 = arith.shrui %get3A_271, %shift_right_logical3A_280 : vector<16xi32>
        %swap3A_282 = arith.constant 48 : index
        %swap3A_283 = tpu.vector_load %arg11[%swap3A_282] {strides = array<i32>} : memref<64xi32, #tpu.memory_space<vmem>>, vector<16xi32>,
        %swap3A_284 = vector.shape_cast %swap3A_283 : vector<16xi32> to vector<16xi32>
        %swap3A_285 = vector.shape_cast %shift_right_logical3A_281 : vector<16xi32> to vector<16xi32>
        tpu.vector_store %arg11[%swap3A_282], %swap3A_285 {strides = array<i32>} : memref<64xi32, #tpu.memory_space<vmem>>, vector<16xi32>,
        %dma_start3A_286 = arith.constant 0 : i32
        %dma_start3A_287 = arith.constant 0 : i32
        %dma_start3A_288 = tpu.memref_slice %arg2[%dma_start3A_286, %dma_start3A_287] : memref<10000x128xf32, #tpu.memory_space<hbm>> -> memref<10000x128xf32, #tpu.memory_space<hbm>>
        tpu.enqueue_indirect_dma source(%dma_start3A_288 : memref<10000x128xf32, #tpu.memory_space<hbm>>) target(%arg14 : memref<64x128xf32, #tpu.memory_space<vmem>>) offsets(%arg10 : memref<64xi32, #tpu.memory_space<vmem>>) semaphore(%arg17 : memref<!tpu.dma_semaphore, #tpu.memory_space<semaphore_mem>>)
      } else {
      }
      %dma_wait3A_201 = arith.constant 0 : i32
      %dma_wait3A_202 = arith.constant 0 : i32
      %dma_wait3A_203 = tpu.memref_slice %arg2[%dma_wait3A_201, %dma_wait3A_202] : memref<10000x128xf32, #tpu.memory_space<hbm>> -> memref<10000x128xf32, #tpu.memory_space<hbm>>
      tpu.wait_indirect_dma semaphore(%arg18 : memref<!tpu.dma_semaphore, #tpu.memory_space<semaphore_mem>>) src(%dma_wait3A_203 : memref<10000x128xf32, #tpu.memory_space<hbm>>) dst(%arg15 : memref<64x128xf32, #tpu.memory_space<vmem>>)
      "tpu.region"() ({
        %run_scoped3A = tpu.sem_alloc : memref<!tpu.dma_semaphore, #tpu.memory_space<semaphore_mem>>
        %dma_start3A_204 = arith.constant 0 : i32
        %dma_start3A_205 = arith.constant 0 : i32
        %dma_start3A_206 = tpu.memref_slice %arg16[%dma_start3A_204, %dma_start3A_205] : memref<10112x128xf32, #tpu.memory_space<vmem_shared>> -> memref<10112x128xf32, #tpu.memory_space<vmem_shared>>
        tpu.enqueue_indirect_dma source(%arg15 : memref<64x128xf32, #tpu.memory_space<vmem>>) target(%dma_start3A_206 : memref<10112x128xf32, #tpu.memory_space<vmem_shared>>) offsets(%arg13 : memref<64xi32, #tpu.memory_space<vmem>>) semaphore(%run_scoped3A : memref<!tpu.dma_semaphore, #tpu.memory_space<semaphore_mem>>) {add = true}
        %dma_wait3A_207 = arith.constant 0 : i32
        %dma_wait3A_208 = arith.constant 0 : i32
        %dma_wait3A_209 = tpu.memref_slice %arg16[%dma_wait3A_207, %dma_wait3A_208] : memref<10112x128xf32, #tpu.memory_space<vmem_shared>> -> memref<10112x128xf32, #tpu.memory_space<vmem_shared>>
        tpu.wait_indirect_dma semaphore(%run_scoped3A : memref<!tpu.dma_semaphore, #tpu.memory_space<semaphore_mem>>) src(%arg15 : memref<64x128xf32, #tpu.memory_space<vmem>>) dst(%dma_wait3A_209 : memref<10112x128xf32, #tpu.memory_space<vmem_shared>>)
        tpu.yield
      }) : () -> ()
      "tpu.region"() ({
        %run_scoped3A = tpu.sem_alloc : memref<!tpu.dma_semaphore, #tpu.memory_space<semaphore_mem>>
        %dma_start3A_204 = arith.constant 0 : i32
        %dma_start3A_205 = arith.constant 0 : i32
        %dma_start3A_206 = tpu.memref_slice %arg20[%dma_start3A_204, %dma_start3A_205] : memref<10112x16xf32, #tpu.memory_space<vmem_shared>> -> memref<10112x16xf32, #tpu.memory_space<vmem_shared>>
        tpu.enqueue_indirect_dma source(%arg19 : memref<64x16xf32, #tpu.memory_space<vmem>>) target(%dma_start3A_206 : memref<10112x16xf32, #tpu.memory_space<vmem_shared>>) offsets(%arg13 : memref<64xi32, #tpu.memory_space<vmem>>) semaphore(%run_scoped3A : memref<!tpu.dma_semaphore, #tpu.memory_space<semaphore_mem>>) {add = true}
        %dma_wait3A_207 = arith.constant 0 : i32
        %dma_wait3A_208 = arith.constant 0 : i32
        %dma_wait3A_209 = tpu.memref_slice %arg20[%dma_wait3A_207, %dma_wait3A_208] : memref<10112x16xf32, #tpu.memory_space<vmem_shared>> -> memref<10112x16xf32, #tpu.memory_space<vmem_shared>>
        tpu.wait_indirect_dma semaphore(%run_scoped3A : memref<!tpu.dma_semaphore, #tpu.memory_space<semaphore_mem>>) src(%arg19 : memref<64x16xf32, #tpu.memory_space<vmem>>) dst(%dma_wait3A_209 : memref<10112x16xf32, #tpu.memory_space<vmem_shared>>)
        tpu.yield
      }) : () -> ()
    }
    %barrier3A_107 = arith.constant 0 : index
    tpu.barrier barrier_id(%barrier3A_107)
    "tpu.region"() ({
      %run_scoped3A = tpu.sem_alloc : memref<!tpu.dma_semaphore, #tpu.memory_space<semaphore_mem>>
      %dma_start3A_108 = arith.constant 0 : i32
      %dma_start3A_109 = tpu.memref_slice %arg7[%arg0, %mul3A_0, %dma_start3A_108] : memref<2x10112x128xf32, #tpu.memory_space<hbm>> -> memref<1x632x128xf32, #tpu.memory_space<hbm>>
      %dma_start3A_110 = tpu.memref_squeeze %dma_start3A_109 : memref<1x632x128xf32, #tpu.memory_space<hbm>> -> memref<632x128xf32, #tpu.memory_space<hbm>>
      %dma_start3A_111 = arith.constant 0 : i32
      %dma_start3A_112 = tpu.memref_slice %arg16[%mul3A_0, %dma_start3A_111] : memref<10112x128xf32, #tpu.memory_space<vmem_shared>> -> memref<632x128xf32, #tpu.memory_space<vmem_shared>>
      tpu.enqueue_dma source(%dma_start3A_112 : memref<632x128xf32, #tpu.memory_space<vmem_shared>>) target(%dma_start3A_110 : memref<632x128xf32, #tpu.memory_space<hbm>>) target_semaphore(%run_scoped3A : memref<!tpu.dma_semaphore, #tpu.memory_space<semaphore_mem>>)
      %dma_wait3A = arith.constant 0 : i32
      %dma_wait3A_113 = tpu.memref_slice %arg7[%arg0, %mul3A_0, %dma_wait3A] : memref<2x10112x128xf32, #tpu.memory_space<hbm>> -> memref<1x632x128xf32, #tpu.memory_space<hbm>>
      %dma_wait3A_114 = tpu.memref_squeeze %dma_wait3A_113 : memref<1x632x128xf32, #tpu.memory_space<hbm>> -> memref<632x128xf32, #tpu.memory_space<hbm>>
      %dma_wait3A_115 = arith.constant 0 : i32
      %dma_wait3A_116 = tpu.memref_slice %arg16[%mul3A_0, %dma_wait3A_115] : memref<10112x128xf32, #tpu.memory_space<vmem_shared>> -> memref<632x128xf32, #tpu.memory_space<vmem_shared>>
      tpu.wait_dma2 semaphore(%run_scoped3A : memref<!tpu.dma_semaphore, #tpu.memory_space<semaphore_mem>>) src(%dma_wait3A_116 : memref<632x128xf32, #tpu.memory_space<vmem_shared>>) dst(%dma_wait3A_114 : memref<632x128xf32, #tpu.memory_space<hbm>>)
      tpu.yield
    }) : () -> ()
    "tpu.region"() ({
      %run_scoped3A = tpu.sem_alloc : memref<!tpu.dma_semaphore, #tpu.memory_space<semaphore_mem>>
      %dma_start3A_108 = arith.constant 0 : i32
      %dma_start3A_109 = tpu.memref_slice %arg8[%arg0, %mul3A_0, %dma_start3A_108] : memref<2x10112x16xf32, #tpu.memory_space<hbm>> -> memref<1x632x16xf32, #tpu.memory_space<hbm>>
      %dma_start3A_110 = tpu.memref_squeeze %dma_start3A_109 : memref<1x632x16xf32, #tpu.memory_space<hbm>> -> memref<632x16xf32, #tpu.memory_space<hbm>>
      %dma_start3A_111 = arith.constant 0 : i32
      %dma_start3A_112 = tpu.memref_slice %arg20[%mul3A_0, %dma_start3A_111] : memref<10112x16xf32, #tpu.memory_space<vmem_shared>> -> memref<632x16xf32, #tpu.memory_space<vmem_shared>>
      tpu.enqueue_dma source(%dma_start3A_112 : memref<632x16xf32, #tpu.memory_space<vmem_shared>>) target(%dma_start3A_110 : memref<632x16xf32, #tpu.memory_space<hbm>>) target_semaphore(%run_scoped3A : memref<!tpu.dma_semaphore, #tpu.memory_space<semaphore_mem>>)
      %dma_wait3A = arith.constant 0 : i32
      %dma_wait3A_113 = tpu.memref_slice %arg8[%arg0, %mul3A_0, %dma_wait3A] : memref<2x10112x16xf32, #tpu.memory_space<hbm>> -> memref<1x632x16xf32, #tpu.memory_space<hbm>>
      %dma_wait3A_114 = tpu.memref_squeeze %dma_wait3A_113 : memref<1x632x16xf32, #tpu.memory_space<hbm>> -> memref<632x16xf32, #tpu.memory_space<hbm>>
      %dma_wait3A_115 = arith.constant 0 : i32
      %dma_wait3A_116 = tpu.memref_slice %arg20[%mul3A_0, %dma_wait3A_115] : memref<10112x16xf32, #tpu.memory_space<vmem_shared>> -> memref<632x16xf32, #tpu.memory_space<vmem_shared>>
      tpu.wait_dma2 semaphore(%run_scoped3A : memref<!tpu.dma_semaphore, #tpu.memory_space<semaphore_mem>>) src(%dma_wait3A_116 : memref<632x16xf32, #tpu.memory_space<vmem_shared>>) dst(%dma_wait3A_114 : memref<632x16xf32, #tpu.memory_space<hbm>>)
      tpu.yield
    }) : () -> ()
    return
  }
}

#map = affine_map<(d0, d1) -> (0, 0)>
#map1 = affine_map<(d0, d1) -> (0, 0, 0)>
module attributes {stable_mosaic.version = 14 : i64} {
  func.func @sc_segsum(%arg0: i32, %arg1: i32, %arg2: memref<10000x48xf32, #tpu.memory_space<hbm>>, %arg3: memref<5066x64xi32, #tpu.memory_space<hbm>>, %arg4: memref<632x48xf32, #tpu.memory_space<hbm>>, %arg5: memref<2x10112x48xf32, #tpu.memory_space<hbm>>, %arg6: memref<178x64xi32, #tpu.memory_space<vmem>>, %arg7: memref<64xi32, #tpu.memory_space<vmem>>, %arg8: memref<64xi32, #tpu.memory_space<vmem>>, %arg9: memref<64xi32, #tpu.memory_space<vmem>>, %arg10: memref<64xi32, #tpu.memory_space<vmem>>, %arg11: memref<64x48xf32, #tpu.memory_space<vmem>>, %arg12: memref<64x48xf32, #tpu.memory_space<vmem>>, %arg13: memref<10112x48xf32, #tpu.memory_space<vmem_shared>>, %arg14: memref<!tpu.dma_semaphore, #tpu.memory_space<semaphore_mem>>, %arg15: memref<!tpu.dma_semaphore, #tpu.memory_space<semaphore_mem>>) attributes {dimension_semantics = [#tpu.dimension_semantics<core_parallel>, #tpu.dimension_semantics<subcore_parallel>], iteration_bounds = array<i64: 2, 16>, scalar_prefetch = 0 : i64, scratch_operands = 10 : i64, tpu.core_type = #tpu.core_type<sc_vector_subcore>, window_params = [{transform_indices = #map}, {transform_indices = #map}, {transform_indices = #map}, {transform_indices = #map1}]} {
    %mul3A = arith.constant 632 : i32
    %mul3A_0 = arith.muli %arg1, %mul3A : i32
    %eq3A = arith.constant 0 : i32
    %eq3A_1 = arith.cmpi eq, %arg0, %eq3A : i32
    %mul3A_2 = arith.constant 178 : i32
    %mul3A_3 = arith.muli %arg1, %mul3A_2 : i32
    %mul3A_4 = arith.constant 136 : i32
    %mul3A_5 = arith.muli %arg1, %mul3A_4 : i32
    %add3A = arith.constant 2848 : i32
    %add3A_6 = arith.addi %add3A, %mul3A_5 : i32
    %select_n3A = arith.select %eq3A_1, %mul3A_3, %add3A_6 : i32
    %eq3A_7 = arith.constant 0 : i32
    %eq3A_8 = arith.cmpi eq, %arg0, %eq3A_7 : i32
    %jit3A = arith.constant 89 : i32
    %jit3A_9 = arith.constant 68 : i32
    %select_n3A_10 = arith.select %eq3A_8, %jit3A, %jit3A_9 : i32
    %eq3A_11 = arith.constant 0 : i32
    %eq3A_12 = arith.cmpi eq, %arg0, %eq3A_11 : i32
    %jit3A_13 = arith.constant 178 : i32
    %jit3A_14 = arith.constant 136 : i32
    %select_n3A_15 = arith.select %eq3A_12, %jit3A_13, %jit3A_14 : i32
    "tpu.region"() ({
      %run_scoped3A = tpu.sem_alloc : memref<!tpu.dma_semaphore, #tpu.memory_space<semaphore_mem>>
      %dma_start3A_108 = arith.constant 0 : i32
      %dma_start3A_109 = tpu.memref_slice %arg13[%mul3A_0, %dma_start3A_108] : memref<10112x48xf32, #tpu.memory_space<vmem_shared>> -> memref<632x48xf32, #tpu.memory_space<vmem_shared>>
      tpu.enqueue_dma source(%arg4 : memref<632x48xf32, #tpu.memory_space<hbm>>) target(%dma_start3A_109 : memref<632x48xf32, #tpu.memory_space<vmem_shared>>) target_semaphore(%run_scoped3A : memref<!tpu.dma_semaphore, #tpu.memory_space<semaphore_mem>>)
      %dma_wait3A = arith.constant 0 : i32
      %dma_wait3A_110 = tpu.memref_slice %arg13[%mul3A_0, %dma_wait3A] : memref<10112x48xf32, #tpu.memory_space<vmem_shared>> -> memref<632x48xf32, #tpu.memory_space<vmem_shared>>
      tpu.wait_dma2 semaphore(%run_scoped3A : memref<!tpu.dma_semaphore, #tpu.memory_space<semaphore_mem>>) src(%arg4 : memref<632x48xf32, #tpu.memory_space<hbm>>) dst(%dma_wait3A_110 : memref<632x48xf32, #tpu.memory_space<vmem_shared>>)
      tpu.yield
    }) : () -> ()
    "tpu.region"() ({
      %run_scoped3A = tpu.sem_alloc : memref<!tpu.dma_semaphore, #tpu.memory_space<semaphore_mem>>
      %dma_start3A_108 = arith.constant 0 : i32
      %dma_start3A_109 = tpu.memref_slice %arg3[%select_n3A, %dma_start3A_108] : memref<5066x64xi32, #tpu.memory_space<hbm>> -> memref<178x64xi32, #tpu.memory_space<hbm>>
      %dma_start3A_110 = arith.constant 0 : i32
      %dma_start3A_111 = tpu.memref_slice %arg3[%select_n3A, %dma_start3A_110] : memref<5066x64xi32, #tpu.memory_space<hbm>> -> memref<178x64xi32, #tpu.memory_space<hbm>>
      tpu.enqueue_dma source(%dma_start3A_111 : memref<178x64xi32, #tpu.memory_space<hbm>>) target(%arg6 : memref<178x64xi32, #tpu.memory_space<vmem>>) target_semaphore(%run_scoped3A : memref<!tpu.dma_semaphore, #tpu.memory_space<semaphore_mem>>)
      %dma_wait3A = arith.constant 0 : i32
      %dma_wait3A_112 = tpu.memref_slice %arg3[%select_n3A, %dma_wait3A] : memref<5066x64xi32, #tpu.memory_space<hbm>> -> memref<178x64xi32, #tpu.memory_space<hbm>>
      %dma_wait3A_113 = arith.constant 0 : i32
      %dma_wait3A_114 = tpu.memref_slice %arg3[%select_n3A, %dma_wait3A_113] : memref<5066x64xi32, #tpu.memory_space<hbm>> -> memref<178x64xi32, #tpu.memory_space<hbm>>
      tpu.wait_dma2 semaphore(%run_scoped3A : memref<!tpu.dma_semaphore, #tpu.memory_space<semaphore_mem>>) src(%dma_wait3A_114 : memref<178x64xi32, #tpu.memory_space<hbm>>) dst(%arg6 : memref<178x64xi32, #tpu.memory_space<vmem>>)
      tpu.yield
    }) : () -> ()
    %barrier3A = arith.constant 0 : index
    tpu.barrier barrier_id(%barrier3A)
    %get3A = arith.constant 0 : i32
    %get3A_16 = arith.constant 0 : i32
    %get3A_17 = tpu.memref_slice %arg6[%get3A, %get3A_16] : memref<178x64xi32, #tpu.memory_space<vmem>> -> memref<1x64xi32, #tpu.memory_space<vmem>>
    %get3A_18 = tpu.memref_squeeze %get3A_17 : memref<1x64xi32, #tpu.memory_space<vmem>> -> memref<64xi32, #tpu.memory_space<vmem>>
    %get3A_19 = arith.constant 0 : index
    %get3A_20 = tpu.vector_load %get3A_18[%get3A_19] {strides = array<i32>} : memref<64xi32, #tpu.memory_space<vmem>>, vector<16xi32>,
    %get3A_21 = vector.shape_cast %get3A_20 : vector<16xi32> to vector<16xi32>
    %and3A = arith.constant 16383 : i32
    %and3A_22 = vector.broadcast %and3A : i32 to vector<16xi32>
    %and3A_23 = arith.andi %get3A_21, %and3A_22 : vector<16xi32>
    %swap3A = arith.constant 0 : index
    %swap3A_24 = tpu.vector_load %arg7[%swap3A] {strides = array<i32>} : memref<64xi32, #tpu.memory_space<vmem>>, vector<16xi32>,
    %swap3A_25 = vector.shape_cast %swap3A_24 : vector<16xi32> to vector<16xi32>
    %swap3A_26 = vector.shape_cast %and3A_23 : vector<16xi32> to vector<16xi32>
    tpu.vector_store %arg7[%swap3A], %swap3A_26 {strides = array<i32>} : memref<64xi32, #tpu.memory_space<vmem>>, vector<16xi32>,
    %shift_right_logical3A = arith.constant 14 : i32
    %shift_right_logical3A_27 = vector.broadcast %shift_right_logical3A : i32 to vector<16xi32>
    %shift_right_logical3A_28 = arith.shrui %get3A_21, %shift_right_logical3A_27 : vector<16xi32>
    %swap3A_29 = arith.constant 0 : index
    %swap3A_30 = tpu.vector_load %arg8[%swap3A_29] {strides = array<i32>} : memref<64xi32, #tpu.memory_space<vmem>>, vector<16xi32>,
    %swap3A_31 = vector.shape_cast %swap3A_30 : vector<16xi32> to vector<16xi32>
    %swap3A_32 = vector.shape_cast %shift_right_logical3A_28 : vector<16xi32> to vector<16xi32>
    tpu.vector_store %arg8[%swap3A_29], %swap3A_32 {strides = array<i32>} : memref<64xi32, #tpu.memory_space<vmem>>, vector<16xi32>,
    %get3A_33 = arith.constant 0 : i32
    %get3A_34 = arith.constant 0 : i32
    %get3A_35 = tpu.memref_slice %arg6[%get3A_33, %get3A_34] : memref<178x64xi32, #tpu.memory_space<vmem>> -> memref<1x64xi32, #tpu.memory_space<vmem>>
    %get3A_36 = tpu.memref_squeeze %get3A_35 : memref<1x64xi32, #tpu.memory_space<vmem>> -> memref<64xi32, #tpu.memory_space<vmem>>
    %get3A_37 = arith.constant 16 : index
    %get3A_38 = tpu.vector_load %get3A_36[%get3A_37] {strides = array<i32>} : memref<64xi32, #tpu.memory_space<vmem>>, vector<16xi32>,
    %get3A_39 = vector.shape_cast %get3A_38 : vector<16xi32> to vector<16xi32>
    %and3A_40 = arith.constant 16383 : i32
    %and3A_41 = vector.broadcast %and3A_40 : i32 to vector<16xi32>
    %and3A_42 = arith.andi %get3A_39, %and3A_41 : vector<16xi32>
    %swap3A_43 = arith.constant 16 : index
    %swap3A_44 = tpu.vector_load %arg7[%swap3A_43] {strides = array<i32>} : memref<64xi32, #tpu.memory_space<vmem>>, vector<16xi32>,
    %swap3A_45 = vector.shape_cast %swap3A_44 : vector<16xi32> to vector<16xi32>
    %swap3A_46 = vector.shape_cast %and3A_42 : vector<16xi32> to vector<16xi32>
    tpu.vector_store %arg7[%swap3A_43], %swap3A_46 {strides = array<i32>} : memref<64xi32, #tpu.memory_space<vmem>>, vector<16xi32>,
    %shift_right_logical3A_47 = arith.constant 14 : i32
    %shift_right_logical3A_48 = vector.broadcast %shift_right_logical3A_47 : i32 to vector<16xi32>
    %shift_right_logical3A_49 = arith.shrui %get3A_39, %shift_right_logical3A_48 : vector<16xi32>
    %swap3A_50 = arith.constant 16 : index
    %swap3A_51 = tpu.vector_load %arg8[%swap3A_50] {strides = array<i32>} : memref<64xi32, #tpu.memory_space<vmem>>, vector<16xi32>,
    %swap3A_52 = vector.shape_cast %swap3A_51 : vector<16xi32> to vector<16xi32>
    %swap3A_53 = vector.shape_cast %shift_right_logical3A_49 : vector<16xi32> to vector<16xi32>
    tpu.vector_store %arg8[%swap3A_50], %swap3A_53 {strides = array<i32>} : memref<64xi32, #tpu.memory_space<vmem>>, vector<16xi32>,
    %get3A_54 = arith.constant 0 : i32
    %get3A_55 = arith.constant 0 : i32
    %get3A_56 = tpu.memref_slice %arg6[%get3A_54, %get3A_55] : memref<178x64xi32, #tpu.memory_space<vmem>> -> memref<1x64xi32, #tpu.memory_space<vmem>>
    %get3A_57 = tpu.memref_squeeze %get3A_56 : memref<1x64xi32, #tpu.memory_space<vmem>> -> memref<64xi32, #tpu.memory_space<vmem>>
    %get3A_58 = arith.constant 32 : index
    %get3A_59 = tpu.vector_load %get3A_57[%get3A_58] {strides = array<i32>} : memref<64xi32, #tpu.memory_space<vmem>>, vector<16xi32>,
    %get3A_60 = vector.shape_cast %get3A_59 : vector<16xi32> to vector<16xi32>
    %and3A_61 = arith.constant 16383 : i32
    %and3A_62 = vector.broadcast %and3A_61 : i32 to vector<16xi32>
    %and3A_63 = arith.andi %get3A_60, %and3A_62 : vector<16xi32>
    %swap3A_64 = arith.constant 32 : index
    %swap3A_65 = tpu.vector_load %arg7[%swap3A_64] {strides = array<i32>} : memref<64xi32, #tpu.memory_space<vmem>>, vector<16xi32>,
    %swap3A_66 = vector.shape_cast %swap3A_65 : vector<16xi32> to vector<16xi32>
    %swap3A_67 = vector.shape_cast %and3A_63 : vector<16xi32> to vector<16xi32>
    tpu.vector_store %arg7[%swap3A_64], %swap3A_67 {strides = array<i32>} : memref<64xi32, #tpu.memory_space<vmem>>, vector<16xi32>,
    %shift_right_logical3A_68 = arith.constant 14 : i32
    %shift_right_logical3A_69 = vector.broadcast %shift_right_logical3A_68 : i32 to vector<16xi32>
    %shift_right_logical3A_70 = arith.shrui %get3A_60, %shift_right_logical3A_69 : vector<16xi32>
    %swap3A_71 = arith.constant 32 : index
    %swap3A_72 = tpu.vector_load %arg8[%swap3A_71] {strides = array<i32>} : memref<64xi32, #tpu.memory_space<vmem>>, vector<16xi32>,
    %swap3A_73 = vector.shape_cast %swap3A_72 : vector<16xi32> to vector<16xi32>
    %swap3A_74 = vector.shape_cast %shift_right_logical3A_70 : vector<16xi32> to vector<16xi32>
    tpu.vector_store %arg8[%swap3A_71], %swap3A_74 {strides = array<i32>} : memref<64xi32, #tpu.memory_space<vmem>>, vector<16xi32>,
    %get3A_75 = arith.constant 0 : i32
    %get3A_76 = arith.constant 0 : i32
    %get3A_77 = tpu.memref_slice %arg6[%get3A_75, %get3A_76] : memref<178x64xi32, #tpu.memory_space<vmem>> -> memref<1x64xi32, #tpu.memory_space<vmem>>
    %get3A_78 = tpu.memref_squeeze %get3A_77 : memref<1x64xi32, #tpu.memory_space<vmem>> -> memref<64xi32, #tpu.memory_space<vmem>>
    %get3A_79 = arith.constant 48 : index
    %get3A_80 = tpu.vector_load %get3A_78[%get3A_79] {strides = array<i32>} : memref<64xi32, #tpu.memory_space<vmem>>, vector<16xi32>,
    %get3A_81 = vector.shape_cast %get3A_80 : vector<16xi32> to vector<16xi32>
    %and3A_82 = arith.constant 16383 : i32
    %and3A_83 = vector.broadcast %and3A_82 : i32 to vector<16xi32>
    %and3A_84 = arith.andi %get3A_81, %and3A_83 : vector<16xi32>
    %swap3A_85 = arith.constant 48 : index
    %swap3A_86 = tpu.vector_load %arg7[%swap3A_85] {strides = array<i32>} : memref<64xi32, #tpu.memory_space<vmem>>, vector<16xi32>,
    %swap3A_87 = vector.shape_cast %swap3A_86 : vector<16xi32> to vector<16xi32>
    %swap3A_88 = vector.shape_cast %and3A_84 : vector<16xi32> to vector<16xi32>
    tpu.vector_store %arg7[%swap3A_85], %swap3A_88 {strides = array<i32>} : memref<64xi32, #tpu.memory_space<vmem>>, vector<16xi32>,
    %shift_right_logical3A_89 = arith.constant 14 : i32
    %shift_right_logical3A_90 = vector.broadcast %shift_right_logical3A_89 : i32 to vector<16xi32>
    %shift_right_logical3A_91 = arith.shrui %get3A_81, %shift_right_logical3A_90 : vector<16xi32>
    %swap3A_92 = arith.constant 48 : index
    %swap3A_93 = tpu.vector_load %arg8[%swap3A_92] {strides = array<i32>} : memref<64xi32, #tpu.memory_space<vmem>>, vector<16xi32>,
    %swap3A_94 = vector.shape_cast %swap3A_93 : vector<16xi32> to vector<16xi32>
    %swap3A_95 = vector.shape_cast %shift_right_logical3A_91 : vector<16xi32> to vector<16xi32>
    tpu.vector_store %arg8[%swap3A_92], %swap3A_95 {strides = array<i32>} : memref<64xi32, #tpu.memory_space<vmem>>, vector<16xi32>,
    %dma_start3A = arith.constant 0 : i32
    %dma_start3A_96 = arith.constant 0 : i32
    %dma_start3A_97 = tpu.memref_slice %arg2[%dma_start3A, %dma_start3A_96] : memref<10000x48xf32, #tpu.memory_space<hbm>> -> memref<10000x48xf32, #tpu.memory_space<hbm>>
    tpu.enqueue_indirect_dma source(%dma_start3A_97 : memref<10000x48xf32, #tpu.memory_space<hbm>>) target(%arg11 : memref<64x48xf32, #tpu.memory_space<vmem>>) offsets(%arg7 : memref<64xi32, #tpu.memory_space<vmem>>) semaphore(%arg14 : memref<!tpu.dma_semaphore, #tpu.memory_space<semaphore_mem>>)
    %while3A = arith.constant 0 : i32
    %while3A_98 = arith.constant 0 : i32
    %while3A_99 = arith.subi %select_n3A_10, %while3A_98 : i32
    %while3A_100 = arith.addi %while3A_98, %while3A_99 : i32
    %while3A_101 = arith.constant 1 : i32
    %while3A_102 = arith.divsi %while3A_99, %while3A_101 : i32
    %while3A_103 = arith.muli %while3A_102, %while3A_101 : i32
    %while3A_104 = arith.addi %while3A_98, %while3A_103 : i32
    %while3A_105 = arith.constant 1 : i32
    scf.for %while3A_108 = %while3A_98 to %while3A_104 step %while3A_105  : i32 {
      %mul3A_109 = arith.constant 2 : i32
      %mul3A_110 = arith.muli %mul3A_109, %while3A_108 : i32
      %add3A_111 = arith.constant 1 : i32
      %add3A_112 = arith.addi %mul3A_110, %add3A_111 : i32
      %get3A_113 = arith.constant 0 : i32
      %get3A_114 = tpu.memref_slice %arg6[%add3A_112, %get3A_113] : memref<178x64xi32, #tpu.memory_space<vmem>> -> memref<1x64xi32, #tpu.memory_space<vmem>>
      %get3A_115 = tpu.memref_squeeze %get3A_114 : memref<1x64xi32, #tpu.memory_space<vmem>> -> memref<64xi32, #tpu.memory_space<vmem>>
      %get3A_116 = arith.constant 0 : index
      %get3A_117 = tpu.vector_load %get3A_115[%get3A_116] {strides = array<i32>} : memref<64xi32, #tpu.memory_space<vmem>>, vector<16xi32>,
      %get3A_118 = vector.shape_cast %get3A_117 : vector<16xi32> to vector<16xi32>
      %and3A_119 = arith.constant 16383 : i32
      %and3A_120 = vector.broadcast %and3A_119 : i32 to vector<16xi32>
      %and3A_121 = arith.andi %get3A_118, %and3A_120 : vector<16xi32>
      %swap3A_122 = arith.constant 0 : index
      %swap3A_123 = tpu.vector_load %arg9[%swap3A_122] {strides = array<i32>} : memref<64xi32, #tpu.memory_space<vmem>>, vector<16xi32>,
      %swap3A_124 = vector.shape_cast %swap3A_123 : vector<16xi32> to vector<16xi32>
      %swap3A_125 = vector.shape_cast %and3A_121 : vector<16xi32> to vector<16xi32>
      tpu.vector_store %arg9[%swap3A_122], %swap3A_125 {strides = array<i32>} : memref<64xi32, #tpu.memory_space<vmem>>, vector<16xi32>,
      %shift_right_logical3A_126 = arith.constant 14 : i32
      %shift_right_logical3A_127 = vector.broadcast %shift_right_logical3A_126 : i32 to vector<16xi32>
      %shift_right_logical3A_128 = arith.shrui %get3A_118, %shift_right_logical3A_127 : vector<16xi32>
      %swap3A_129 = arith.constant 0 : index
      %swap3A_130 = tpu.vector_load %arg10[%swap3A_129] {strides = array<i32>} : memref<64xi32, #tpu.memory_space<vmem>>, vector<16xi32>,
      %swap3A_131 = vector.shape_cast %swap3A_130 : vector<16xi32> to vector<16xi32>
      %swap3A_132 = vector.shape_cast %shift_right_logical3A_128 : vector<16xi32> to vector<16xi32>
      tpu.vector_store %arg10[%swap3A_129], %swap3A_132 {strides = array<i32>} : memref<64xi32, #tpu.memory_space<vmem>>, vector<16xi32>,
      %get3A_133 = arith.constant 0 : i32
      %get3A_134 = tpu.memref_slice %arg6[%add3A_112, %get3A_133] : memref<178x64xi32, #tpu.memory_space<vmem>> -> memref<1x64xi32, #tpu.memory_space<vmem>>
      %get3A_135 = tpu.memref_squeeze %get3A_134 : memref<1x64xi32, #tpu.memory_space<vmem>> -> memref<64xi32, #tpu.memory_space<vmem>>
      %get3A_136 = arith.constant 16 : index
      %get3A_137 = tpu.vector_load %get3A_135[%get3A_136] {strides = array<i32>} : memref<64xi32, #tpu.memory_space<vmem>>, vector<16xi32>,
      %get3A_138 = vector.shape_cast %get3A_137 : vector<16xi32> to vector<16xi32>
      %and3A_139 = arith.constant 16383 : i32
      %and3A_140 = vector.broadcast %and3A_139 : i32 to vector<16xi32>
      %and3A_141 = arith.andi %get3A_138, %and3A_140 : vector<16xi32>
      %swap3A_142 = arith.constant 16 : index
      %swap3A_143 = tpu.vector_load %arg9[%swap3A_142] {strides = array<i32>} : memref<64xi32, #tpu.memory_space<vmem>>, vector<16xi32>,
      %swap3A_144 = vector.shape_cast %swap3A_143 : vector<16xi32> to vector<16xi32>
      %swap3A_145 = vector.shape_cast %and3A_141 : vector<16xi32> to vector<16xi32>
      tpu.vector_store %arg9[%swap3A_142], %swap3A_145 {strides = array<i32>} : memref<64xi32, #tpu.memory_space<vmem>>, vector<16xi32>,
      %shift_right_logical3A_146 = arith.constant 14 : i32
      %shift_right_logical3A_147 = vector.broadcast %shift_right_logical3A_146 : i32 to vector<16xi32>
      %shift_right_logical3A_148 = arith.shrui %get3A_138, %shift_right_logical3A_147 : vector<16xi32>
      %swap3A_149 = arith.constant 16 : index
      %swap3A_150 = tpu.vector_load %arg10[%swap3A_149] {strides = array<i32>} : memref<64xi32, #tpu.memory_space<vmem>>, vector<16xi32>,
      %swap3A_151 = vector.shape_cast %swap3A_150 : vector<16xi32> to vector<16xi32>
      %swap3A_152 = vector.shape_cast %shift_right_logical3A_148 : vector<16xi32> to vector<16xi32>
      tpu.vector_store %arg10[%swap3A_149], %swap3A_152 {strides = array<i32>} : memref<64xi32, #tpu.memory_space<vmem>>, vector<16xi32>,
      %get3A_153 = arith.constant 0 : i32
      %get3A_154 = tpu.memref_slice %arg6[%add3A_112, %get3A_153] : memref<178x64xi32, #tpu.memory_space<vmem>> -> memref<1x64xi32, #tpu.memory_space<vmem>>
      %get3A_155 = tpu.memref_squeeze %get3A_154 : memref<1x64xi32, #tpu.memory_space<vmem>> -> memref<64xi32, #tpu.memory_space<vmem>>
      %get3A_156 = arith.constant 32 : index
      %get3A_157 = tpu.vector_load %get3A_155[%get3A_156] {strides = array<i32>} : memref<64xi32, #tpu.memory_space<vmem>>, vector<16xi32>,
      %get3A_158 = vector.shape_cast %get3A_157 : vector<16xi32> to vector<16xi32>
      %and3A_159 = arith.constant 16383 : i32
      %and3A_160 = vector.broadcast %and3A_159 : i32 to vector<16xi32>
      %and3A_161 = arith.andi %get3A_158, %and3A_160 : vector<16xi32>
      %swap3A_162 = arith.constant 32 : index
      %swap3A_163 = tpu.vector_load %arg9[%swap3A_162] {strides = array<i32>} : memref<64xi32, #tpu.memory_space<vmem>>, vector<16xi32>,
      %swap3A_164 = vector.shape_cast %swap3A_163 : vector<16xi32> to vector<16xi32>
      %swap3A_165 = vector.shape_cast %and3A_161 : vector<16xi32> to vector<16xi32>
      tpu.vector_store %arg9[%swap3A_162], %swap3A_165 {strides = array<i32>} : memref<64xi32, #tpu.memory_space<vmem>>, vector<16xi32>,
      %shift_right_logical3A_166 = arith.constant 14 : i32
      %shift_right_logical3A_167 = vector.broadcast %shift_right_logical3A_166 : i32 to vector<16xi32>
      %shift_right_logical3A_168 = arith.shrui %get3A_158, %shift_right_logical3A_167 : vector<16xi32>
      %swap3A_169 = arith.constant 32 : index
      %swap3A_170 = tpu.vector_load %arg10[%swap3A_169] {strides = array<i32>} : memref<64xi32, #tpu.memory_space<vmem>>, vector<16xi32>,
      %swap3A_171 = vector.shape_cast %swap3A_170 : vector<16xi32> to vector<16xi32>
      %swap3A_172 = vector.shape_cast %shift_right_logical3A_168 : vector<16xi32> to vector<16xi32>
      tpu.vector_store %arg10[%swap3A_169], %swap3A_172 {strides = array<i32>} : memref<64xi32, #tpu.memory_space<vmem>>, vector<16xi32>,
      %get3A_173 = arith.constant 0 : i32
      %get3A_174 = tpu.memref_slice %arg6[%add3A_112, %get3A_173] : memref<178x64xi32, #tpu.memory_space<vmem>> -> memref<1x64xi32, #tpu.memory_space<vmem>>
      %get3A_175 = tpu.memref_squeeze %get3A_174 : memref<1x64xi32, #tpu.memory_space<vmem>> -> memref<64xi32, #tpu.memory_space<vmem>>
      %get3A_176 = arith.constant 48 : index
      %get3A_177 = tpu.vector_load %get3A_175[%get3A_176] {strides = array<i32>} : memref<64xi32, #tpu.memory_space<vmem>>, vector<16xi32>,
      %get3A_178 = vector.shape_cast %get3A_177 : vector<16xi32> to vector<16xi32>
      %and3A_179 = arith.constant 16383 : i32
      %and3A_180 = vector.broadcast %and3A_179 : i32 to vector<16xi32>
      %and3A_181 = arith.andi %get3A_178, %and3A_180 : vector<16xi32>
      %swap3A_182 = arith.constant 48 : index
      %swap3A_183 = tpu.vector_load %arg9[%swap3A_182] {strides = array<i32>} : memref<64xi32, #tpu.memory_space<vmem>>, vector<16xi32>,
      %swap3A_184 = vector.shape_cast %swap3A_183 : vector<16xi32> to vector<16xi32>
      %swap3A_185 = vector.shape_cast %and3A_181 : vector<16xi32> to vector<16xi32>
      tpu.vector_store %arg9[%swap3A_182], %swap3A_185 {strides = array<i32>} : memref<64xi32, #tpu.memory_space<vmem>>, vector<16xi32>,
      %shift_right_logical3A_186 = arith.constant 14 : i32
      %shift_right_logical3A_187 = vector.broadcast %shift_right_logical3A_186 : i32 to vector<16xi32>
      %shift_right_logical3A_188 = arith.shrui %get3A_178, %shift_right_logical3A_187 : vector<16xi32>
      %swap3A_189 = arith.constant 48 : index
      %swap3A_190 = tpu.vector_load %arg10[%swap3A_189] {strides = array<i32>} : memref<64xi32, #tpu.memory_space<vmem>>, vector<16xi32>,
      %swap3A_191 = vector.shape_cast %swap3A_190 : vector<16xi32> to vector<16xi32>
      %swap3A_192 = vector.shape_cast %shift_right_logical3A_188 : vector<16xi32> to vector<16xi32>
      tpu.vector_store %arg10[%swap3A_189], %swap3A_192 {strides = array<i32>} : memref<64xi32, #tpu.memory_space<vmem>>, vector<16xi32>,
      %dma_start3A_193 = arith.constant 0 : i32
      %dma_start3A_194 = arith.constant 0 : i32
      %dma_start3A_195 = tpu.memref_slice %arg2[%dma_start3A_193, %dma_start3A_194] : memref<10000x48xf32, #tpu.memory_space<hbm>> -> memref<10000x48xf32, #tpu.memory_space<hbm>>
      tpu.enqueue_indirect_dma source(%dma_start3A_195 : memref<10000x48xf32, #tpu.memory_space<hbm>>) target(%arg12 : memref<64x48xf32, #tpu.memory_space<vmem>>) offsets(%arg9 : memref<64xi32, #tpu.memory_space<vmem>>) semaphore(%arg15 : memref<!tpu.dma_semaphore, #tpu.memory_space<semaphore_mem>>)
      %dma_wait3A = arith.constant 0 : i32
      %dma_wait3A_196 = arith.constant 0 : i32
      %dma_wait3A_197 = tpu.memref_slice %arg2[%dma_wait3A, %dma_wait3A_196] : memref<10000x48xf32, #tpu.memory_space<hbm>> -> memref<10000x48xf32, #tpu.memory_space<hbm>>
      tpu.wait_indirect_dma semaphore(%arg14 : memref<!tpu.dma_semaphore, #tpu.memory_space<semaphore_mem>>) src(%dma_wait3A_197 : memref<10000x48xf32, #tpu.memory_space<hbm>>) dst(%arg11 : memref<64x48xf32, #tpu.memory_space<vmem>>)
      "tpu.region"() ({
        %run_scoped3A = tpu.sem_alloc : memref<!tpu.dma_semaphore, #tpu.memory_space<semaphore_mem>>
        %dma_start3A_204 = arith.constant 0 : i32
        %dma_start3A_205 = arith.constant 0 : i32
        %dma_start3A_206 = tpu.memref_slice %arg13[%dma_start3A_204, %dma_start3A_205] : memref<10112x48xf32, #tpu.memory_space<vmem_shared>> -> memref<10112x48xf32, #tpu.memory_space<vmem_shared>>
        tpu.enqueue_indirect_dma source(%arg11 : memref<64x48xf32, #tpu.memory_space<vmem>>) target(%dma_start3A_206 : memref<10112x48xf32, #tpu.memory_space<vmem_shared>>) offsets(%arg8 : memref<64xi32, #tpu.memory_space<vmem>>) semaphore(%run_scoped3A : memref<!tpu.dma_semaphore, #tpu.memory_space<semaphore_mem>>) {add = true}
        %dma_wait3A_207 = arith.constant 0 : i32
        %dma_wait3A_208 = arith.constant 0 : i32
        %dma_wait3A_209 = tpu.memref_slice %arg13[%dma_wait3A_207, %dma_wait3A_208] : memref<10112x48xf32, #tpu.memory_space<vmem_shared>> -> memref<10112x48xf32, #tpu.memory_space<vmem_shared>>
        tpu.wait_indirect_dma semaphore(%run_scoped3A : memref<!tpu.dma_semaphore, #tpu.memory_space<semaphore_mem>>) src(%arg11 : memref<64x48xf32, #tpu.memory_space<vmem>>) dst(%dma_wait3A_209 : memref<10112x48xf32, #tpu.memory_space<vmem_shared>>)
        tpu.yield
      }) : () -> ()
      %add3A_198 = arith.constant 2 : i32
      %add3A_199 = arith.addi %mul3A_110, %add3A_198 : i32
      %lt3A = arith.cmpi slt, %add3A_199, %select_n3A_15 : i32
      %convert_element_type3A = arith.extui %lt3A : i1 to i32
      %cond3A = arith.constant 0 : i32
      %cond3A_200 = arith.cmpi ne, %convert_element_type3A, %cond3A : i32
      scf.if %cond3A_200 {
        %add3A_204 = arith.constant 2 : i32
        %add3A_205 = arith.addi %mul3A_110, %add3A_204 : i32
        %get3A_206 = arith.constant 0 : i32
        %get3A_207 = tpu.memref_slice %arg6[%add3A_205, %get3A_206] : memref<178x64xi32, #tpu.memory_space<vmem>> -> memref<1x64xi32, #tpu.memory_space<vmem>>
        %get3A_208 = tpu.memref_squeeze %get3A_207 : memref<1x64xi32, #tpu.memory_space<vmem>> -> memref<64xi32, #tpu.memory_space<vmem>>
        %get3A_209 = arith.constant 0 : index
        %get3A_210 = tpu.vector_load %get3A_208[%get3A_209] {strides = array<i32>} : memref<64xi32, #tpu.memory_space<vmem>>, vector<16xi32>,
        %get3A_211 = vector.shape_cast %get3A_210 : vector<16xi32> to vector<16xi32>
        %and3A_212 = arith.constant 16383 : i32
        %and3A_213 = vector.broadcast %and3A_212 : i32 to vector<16xi32>
        %and3A_214 = arith.andi %get3A_211, %and3A_213 : vector<16xi32>
        %swap3A_215 = arith.constant 0 : index
        %swap3A_216 = tpu.vector_load %arg7[%swap3A_215] {strides = array<i32>} : memref<64xi32, #tpu.memory_space<vmem>>, vector<16xi32>,
        %swap3A_217 = vector.shape_cast %swap3A_216 : vector<16xi32> to vector<16xi32>
        %swap3A_218 = vector.shape_cast %and3A_214 : vector<16xi32> to vector<16xi32>
        tpu.vector_store %arg7[%swap3A_215], %swap3A_218 {strides = array<i32>} : memref<64xi32, #tpu.memory_space<vmem>>, vector<16xi32>,
        %shift_right_logical3A_219 = arith.constant 14 : i32
        %shift_right_logical3A_220 = vector.broadcast %shift_right_logical3A_219 : i32 to vector<16xi32>
        %shift_right_logical3A_221 = arith.shrui %get3A_211, %shift_right_logical3A_220 : vector<16xi32>
        %swap3A_222 = arith.constant 0 : index
        %swap3A_223 = tpu.vector_load %arg8[%swap3A_222] {strides = array<i32>} : memref<64xi32, #tpu.memory_space<vmem>>, vector<16xi32>,
        %swap3A_224 = vector.shape_cast %swap3A_223 : vector<16xi32> to vector<16xi32>
        %swap3A_225 = vector.shape_cast %shift_right_logical3A_221 : vector<16xi32> to vector<16xi32>
        tpu.vector_store %arg8[%swap3A_222], %swap3A_225 {strides = array<i32>} : memref<64xi32, #tpu.memory_space<vmem>>, vector<16xi32>,
        %get3A_226 = arith.constant 0 : i32
        %get3A_227 = tpu.memref_slice %arg6[%add3A_205, %get3A_226] : memref<178x64xi32, #tpu.memory_space<vmem>> -> memref<1x64xi32, #tpu.memory_space<vmem>>
        %get3A_228 = tpu.memref_squeeze %get3A_227 : memref<1x64xi32, #tpu.memory_space<vmem>> -> memref<64xi32, #tpu.memory_space<vmem>>
        %get3A_229 = arith.constant 16 : index
        %get3A_230 = tpu.vector_load %get3A_228[%get3A_229] {strides = array<i32>} : memref<64xi32, #tpu.memory_space<vmem>>, vector<16xi32>,
        %get3A_231 = vector.shape_cast %get3A_230 : vector<16xi32> to vector<16xi32>
        %and3A_232 = arith.constant 16383 : i32
        %and3A_233 = vector.broadcast %and3A_232 : i32 to vector<16xi32>
        %and3A_234 = arith.andi %get3A_231, %and3A_233 : vector<16xi32>
        %swap3A_235 = arith.constant 16 : index
        %swap3A_236 = tpu.vector_load %arg7[%swap3A_235] {strides = array<i32>} : memref<64xi32, #tpu.memory_space<vmem>>, vector<16xi32>,
        %swap3A_237 = vector.shape_cast %swap3A_236 : vector<16xi32> to vector<16xi32>
        %swap3A_238 = vector.shape_cast %and3A_234 : vector<16xi32> to vector<16xi32>
        tpu.vector_store %arg7[%swap3A_235], %swap3A_238 {strides = array<i32>} : memref<64xi32, #tpu.memory_space<vmem>>, vector<16xi32>,
        %shift_right_logical3A_239 = arith.constant 14 : i32
        %shift_right_logical3A_240 = vector.broadcast %shift_right_logical3A_239 : i32 to vector<16xi32>
        %shift_right_logical3A_241 = arith.shrui %get3A_231, %shift_right_logical3A_240 : vector<16xi32>
        %swap3A_242 = arith.constant 16 : index
        %swap3A_243 = tpu.vector_load %arg8[%swap3A_242] {strides = array<i32>} : memref<64xi32, #tpu.memory_space<vmem>>, vector<16xi32>,
        %swap3A_244 = vector.shape_cast %swap3A_243 : vector<16xi32> to vector<16xi32>
        %swap3A_245 = vector.shape_cast %shift_right_logical3A_241 : vector<16xi32> to vector<16xi32>
        tpu.vector_store %arg8[%swap3A_242], %swap3A_245 {strides = array<i32>} : memref<64xi32, #tpu.memory_space<vmem>>, vector<16xi32>,
        %get3A_246 = arith.constant 0 : i32
        %get3A_247 = tpu.memref_slice %arg6[%add3A_205, %get3A_246] : memref<178x64xi32, #tpu.memory_space<vmem>> -> memref<1x64xi32, #tpu.memory_space<vmem>>
        %get3A_248 = tpu.memref_squeeze %get3A_247 : memref<1x64xi32, #tpu.memory_space<vmem>> -> memref<64xi32, #tpu.memory_space<vmem>>
        %get3A_249 = arith.constant 32 : index
        %get3A_250 = tpu.vector_load %get3A_248[%get3A_249] {strides = array<i32>} : memref<64xi32, #tpu.memory_space<vmem>>, vector<16xi32>,
        %get3A_251 = vector.shape_cast %get3A_250 : vector<16xi32> to vector<16xi32>
        %and3A_252 = arith.constant 16383 : i32
        %and3A_253 = vector.broadcast %and3A_252 : i32 to vector<16xi32>
        %and3A_254 = arith.andi %get3A_251, %and3A_253 : vector<16xi32>
        %swap3A_255 = arith.constant 32 : index
        %swap3A_256 = tpu.vector_load %arg7[%swap3A_255] {strides = array<i32>} : memref<64xi32, #tpu.memory_space<vmem>>, vector<16xi32>,
        %swap3A_257 = vector.shape_cast %swap3A_256 : vector<16xi32> to vector<16xi32>
        %swap3A_258 = vector.shape_cast %and3A_254 : vector<16xi32> to vector<16xi32>
        tpu.vector_store %arg7[%swap3A_255], %swap3A_258 {strides = array<i32>} : memref<64xi32, #tpu.memory_space<vmem>>, vector<16xi32>,
        %shift_right_logical3A_259 = arith.constant 14 : i32
        %shift_right_logical3A_260 = vector.broadcast %shift_right_logical3A_259 : i32 to vector<16xi32>
        %shift_right_logical3A_261 = arith.shrui %get3A_251, %shift_right_logical3A_260 : vector<16xi32>
        %swap3A_262 = arith.constant 32 : index
        %swap3A_263 = tpu.vector_load %arg8[%swap3A_262] {strides = array<i32>} : memref<64xi32, #tpu.memory_space<vmem>>, vector<16xi32>,
        %swap3A_264 = vector.shape_cast %swap3A_263 : vector<16xi32> to vector<16xi32>
        %swap3A_265 = vector.shape_cast %shift_right_logical3A_261 : vector<16xi32> to vector<16xi32>
        tpu.vector_store %arg8[%swap3A_262], %swap3A_265 {strides = array<i32>} : memref<64xi32, #tpu.memory_space<vmem>>, vector<16xi32>,
        %get3A_266 = arith.constant 0 : i32
        %get3A_267 = tpu.memref_slice %arg6[%add3A_205, %get3A_266] : memref<178x64xi32, #tpu.memory_space<vmem>> -> memref<1x64xi32, #tpu.memory_space<vmem>>
        %get3A_268 = tpu.memref_squeeze %get3A_267 : memref<1x64xi32, #tpu.memory_space<vmem>> -> memref<64xi32, #tpu.memory_space<vmem>>
        %get3A_269 = arith.constant 48 : index
        %get3A_270 = tpu.vector_load %get3A_268[%get3A_269] {strides = array<i32>} : memref<64xi32, #tpu.memory_space<vmem>>, vector<16xi32>,
        %get3A_271 = vector.shape_cast %get3A_270 : vector<16xi32> to vector<16xi32>
        %and3A_272 = arith.constant 16383 : i32
        %and3A_273 = vector.broadcast %and3A_272 : i32 to vector<16xi32>
        %and3A_274 = arith.andi %get3A_271, %and3A_273 : vector<16xi32>
        %swap3A_275 = arith.constant 48 : index
        %swap3A_276 = tpu.vector_load %arg7[%swap3A_275] {strides = array<i32>} : memref<64xi32, #tpu.memory_space<vmem>>, vector<16xi32>,
        %swap3A_277 = vector.shape_cast %swap3A_276 : vector<16xi32> to vector<16xi32>
        %swap3A_278 = vector.shape_cast %and3A_274 : vector<16xi32> to vector<16xi32>
        tpu.vector_store %arg7[%swap3A_275], %swap3A_278 {strides = array<i32>} : memref<64xi32, #tpu.memory_space<vmem>>, vector<16xi32>,
        %shift_right_logical3A_279 = arith.constant 14 : i32
        %shift_right_logical3A_280 = vector.broadcast %shift_right_logical3A_279 : i32 to vector<16xi32>
        %shift_right_logical3A_281 = arith.shrui %get3A_271, %shift_right_logical3A_280 : vector<16xi32>
        %swap3A_282 = arith.constant 48 : index
        %swap3A_283 = tpu.vector_load %arg8[%swap3A_282] {strides = array<i32>} : memref<64xi32, #tpu.memory_space<vmem>>, vector<16xi32>,
        %swap3A_284 = vector.shape_cast %swap3A_283 : vector<16xi32> to vector<16xi32>
        %swap3A_285 = vector.shape_cast %shift_right_logical3A_281 : vector<16xi32> to vector<16xi32>
        tpu.vector_store %arg8[%swap3A_282], %swap3A_285 {strides = array<i32>} : memref<64xi32, #tpu.memory_space<vmem>>, vector<16xi32>,
        %dma_start3A_286 = arith.constant 0 : i32
        %dma_start3A_287 = arith.constant 0 : i32
        %dma_start3A_288 = tpu.memref_slice %arg2[%dma_start3A_286, %dma_start3A_287] : memref<10000x48xf32, #tpu.memory_space<hbm>> -> memref<10000x48xf32, #tpu.memory_space<hbm>>
        tpu.enqueue_indirect_dma source(%dma_start3A_288 : memref<10000x48xf32, #tpu.memory_space<hbm>>) target(%arg11 : memref<64x48xf32, #tpu.memory_space<vmem>>) offsets(%arg7 : memref<64xi32, #tpu.memory_space<vmem>>) semaphore(%arg14 : memref<!tpu.dma_semaphore, #tpu.memory_space<semaphore_mem>>)
      } else {
      }
      %dma_wait3A_201 = arith.constant 0 : i32
      %dma_wait3A_202 = arith.constant 0 : i32
      %dma_wait3A_203 = tpu.memref_slice %arg2[%dma_wait3A_201, %dma_wait3A_202] : memref<10000x48xf32, #tpu.memory_space<hbm>> -> memref<10000x48xf32, #tpu.memory_space<hbm>>
      tpu.wait_indirect_dma semaphore(%arg15 : memref<!tpu.dma_semaphore, #tpu.memory_space<semaphore_mem>>) src(%dma_wait3A_203 : memref<10000x48xf32, #tpu.memory_space<hbm>>) dst(%arg12 : memref<64x48xf32, #tpu.memory_space<vmem>>)
      "tpu.region"() ({
        %run_scoped3A = tpu.sem_alloc : memref<!tpu.dma_semaphore, #tpu.memory_space<semaphore_mem>>
        %dma_start3A_204 = arith.constant 0 : i32
        %dma_start3A_205 = arith.constant 0 : i32
        %dma_start3A_206 = tpu.memref_slice %arg13[%dma_start3A_204, %dma_start3A_205] : memref<10112x48xf32, #tpu.memory_space<vmem_shared>> -> memref<10112x48xf32, #tpu.memory_space<vmem_shared>>
        tpu.enqueue_indirect_dma source(%arg12 : memref<64x48xf32, #tpu.memory_space<vmem>>) target(%dma_start3A_206 : memref<10112x48xf32, #tpu.memory_space<vmem_shared>>) offsets(%arg10 : memref<64xi32, #tpu.memory_space<vmem>>) semaphore(%run_scoped3A : memref<!tpu.dma_semaphore, #tpu.memory_space<semaphore_mem>>) {add = true}
        %dma_wait3A_207 = arith.constant 0 : i32
        %dma_wait3A_208 = arith.constant 0 : i32
        %dma_wait3A_209 = tpu.memref_slice %arg13[%dma_wait3A_207, %dma_wait3A_208] : memref<10112x48xf32, #tpu.memory_space<vmem_shared>> -> memref<10112x48xf32, #tpu.memory_space<vmem_shared>>
        tpu.wait_indirect_dma semaphore(%run_scoped3A : memref<!tpu.dma_semaphore, #tpu.memory_space<semaphore_mem>>) src(%arg12 : memref<64x48xf32, #tpu.memory_space<vmem>>) dst(%dma_wait3A_209 : memref<10112x48xf32, #tpu.memory_space<vmem_shared>>)
        tpu.yield
      }) : () -> ()
    }
    %while3A_106 = arith.constant 1 : i32
    scf.for %while3A_108 = %while3A_104 to %while3A_100 step %while3A_106  : i32 {
      %mul3A_109 = arith.constant 2 : i32
      %mul3A_110 = arith.muli %mul3A_109, %while3A_108 : i32
      %add3A_111 = arith.constant 1 : i32
      %add3A_112 = arith.addi %mul3A_110, %add3A_111 : i32
      %get3A_113 = arith.constant 0 : i32
      %get3A_114 = tpu.memref_slice %arg6[%add3A_112, %get3A_113] : memref<178x64xi32, #tpu.memory_space<vmem>> -> memref<1x64xi32, #tpu.memory_space<vmem>>
      %get3A_115 = tpu.memref_squeeze %get3A_114 : memref<1x64xi32, #tpu.memory_space<vmem>> -> memref<64xi32, #tpu.memory_space<vmem>>
      %get3A_116 = arith.constant 0 : index
      %get3A_117 = tpu.vector_load %get3A_115[%get3A_116] {strides = array<i32>} : memref<64xi32, #tpu.memory_space<vmem>>, vector<16xi32>,
      %get3A_118 = vector.shape_cast %get3A_117 : vector<16xi32> to vector<16xi32>
      %and3A_119 = arith.constant 16383 : i32
      %and3A_120 = vector.broadcast %and3A_119 : i32 to vector<16xi32>
      %and3A_121 = arith.andi %get3A_118, %and3A_120 : vector<16xi32>
      %swap3A_122 = arith.constant 0 : index
      %swap3A_123 = tpu.vector_load %arg9[%swap3A_122] {strides = array<i32>} : memref<64xi32, #tpu.memory_space<vmem>>, vector<16xi32>,
      %swap3A_124 = vector.shape_cast %swap3A_123 : vector<16xi32> to vector<16xi32>
      %swap3A_125 = vector.shape_cast %and3A_121 : vector<16xi32> to vector<16xi32>
      tpu.vector_store %arg9[%swap3A_122], %swap3A_125 {strides = array<i32>} : memref<64xi32, #tpu.memory_space<vmem>>, vector<16xi32>,
      %shift_right_logical3A_126 = arith.constant 14 : i32
      %shift_right_logical3A_127 = vector.broadcast %shift_right_logical3A_126 : i32 to vector<16xi32>
      %shift_right_logical3A_128 = arith.shrui %get3A_118, %shift_right_logical3A_127 : vector<16xi32>
      %swap3A_129 = arith.constant 0 : index
      %swap3A_130 = tpu.vector_load %arg10[%swap3A_129] {strides = array<i32>} : memref<64xi32, #tpu.memory_space<vmem>>, vector<16xi32>,
      %swap3A_131 = vector.shape_cast %swap3A_130 : vector<16xi32> to vector<16xi32>
      %swap3A_132 = vector.shape_cast %shift_right_logical3A_128 : vector<16xi32> to vector<16xi32>
      tpu.vector_store %arg10[%swap3A_129], %swap3A_132 {strides = array<i32>} : memref<64xi32, #tpu.memory_space<vmem>>, vector<16xi32>,
      %get3A_133 = arith.constant 0 : i32
      %get3A_134 = tpu.memref_slice %arg6[%add3A_112, %get3A_133] : memref<178x64xi32, #tpu.memory_space<vmem>> -> memref<1x64xi32, #tpu.memory_space<vmem>>
      %get3A_135 = tpu.memref_squeeze %get3A_134 : memref<1x64xi32, #tpu.memory_space<vmem>> -> memref<64xi32, #tpu.memory_space<vmem>>
      %get3A_136 = arith.constant 16 : index
      %get3A_137 = tpu.vector_load %get3A_135[%get3A_136] {strides = array<i32>} : memref<64xi32, #tpu.memory_space<vmem>>, vector<16xi32>,
      %get3A_138 = vector.shape_cast %get3A_137 : vector<16xi32> to vector<16xi32>
      %and3A_139 = arith.constant 16383 : i32
      %and3A_140 = vector.broadcast %and3A_139 : i32 to vector<16xi32>
      %and3A_141 = arith.andi %get3A_138, %and3A_140 : vector<16xi32>
      %swap3A_142 = arith.constant 16 : index
      %swap3A_143 = tpu.vector_load %arg9[%swap3A_142] {strides = array<i32>} : memref<64xi32, #tpu.memory_space<vmem>>, vector<16xi32>,
      %swap3A_144 = vector.shape_cast %swap3A_143 : vector<16xi32> to vector<16xi32>
      %swap3A_145 = vector.shape_cast %and3A_141 : vector<16xi32> to vector<16xi32>
      tpu.vector_store %arg9[%swap3A_142], %swap3A_145 {strides = array<i32>} : memref<64xi32, #tpu.memory_space<vmem>>, vector<16xi32>,
      %shift_right_logical3A_146 = arith.constant 14 : i32
      %shift_right_logical3A_147 = vector.broadcast %shift_right_logical3A_146 : i32 to vector<16xi32>
      %shift_right_logical3A_148 = arith.shrui %get3A_138, %shift_right_logical3A_147 : vector<16xi32>
      %swap3A_149 = arith.constant 16 : index
      %swap3A_150 = tpu.vector_load %arg10[%swap3A_149] {strides = array<i32>} : memref<64xi32, #tpu.memory_space<vmem>>, vector<16xi32>,
      %swap3A_151 = vector.shape_cast %swap3A_150 : vector<16xi32> to vector<16xi32>
      %swap3A_152 = vector.shape_cast %shift_right_logical3A_148 : vector<16xi32> to vector<16xi32>
      tpu.vector_store %arg10[%swap3A_149], %swap3A_152 {strides = array<i32>} : memref<64xi32, #tpu.memory_space<vmem>>, vector<16xi32>,
      %get3A_153 = arith.constant 0 : i32
      %get3A_154 = tpu.memref_slice %arg6[%add3A_112, %get3A_153] : memref<178x64xi32, #tpu.memory_space<vmem>> -> memref<1x64xi32, #tpu.memory_space<vmem>>
      %get3A_155 = tpu.memref_squeeze %get3A_154 : memref<1x64xi32, #tpu.memory_space<vmem>> -> memref<64xi32, #tpu.memory_space<vmem>>
      %get3A_156 = arith.constant 32 : index
      %get3A_157 = tpu.vector_load %get3A_155[%get3A_156] {strides = array<i32>} : memref<64xi32, #tpu.memory_space<vmem>>, vector<16xi32>,
      %get3A_158 = vector.shape_cast %get3A_157 : vector<16xi32> to vector<16xi32>
      %and3A_159 = arith.constant 16383 : i32
      %and3A_160 = vector.broadcast %and3A_159 : i32 to vector<16xi32>
      %and3A_161 = arith.andi %get3A_158, %and3A_160 : vector<16xi32>
      %swap3A_162 = arith.constant 32 : index
      %swap3A_163 = tpu.vector_load %arg9[%swap3A_162] {strides = array<i32>} : memref<64xi32, #tpu.memory_space<vmem>>, vector<16xi32>,
      %swap3A_164 = vector.shape_cast %swap3A_163 : vector<16xi32> to vector<16xi32>
      %swap3A_165 = vector.shape_cast %and3A_161 : vector<16xi32> to vector<16xi32>
      tpu.vector_store %arg9[%swap3A_162], %swap3A_165 {strides = array<i32>} : memref<64xi32, #tpu.memory_space<vmem>>, vector<16xi32>,
      %shift_right_logical3A_166 = arith.constant 14 : i32
      %shift_right_logical3A_167 = vector.broadcast %shift_right_logical3A_166 : i32 to vector<16xi32>
      %shift_right_logical3A_168 = arith.shrui %get3A_158, %shift_right_logical3A_167 : vector<16xi32>
      %swap3A_169 = arith.constant 32 : index
      %swap3A_170 = tpu.vector_load %arg10[%swap3A_169] {strides = array<i32>} : memref<64xi32, #tpu.memory_space<vmem>>, vector<16xi32>,
      %swap3A_171 = vector.shape_cast %swap3A_170 : vector<16xi32> to vector<16xi32>
      %swap3A_172 = vector.shape_cast %shift_right_logical3A_168 : vector<16xi32> to vector<16xi32>
      tpu.vector_store %arg10[%swap3A_169], %swap3A_172 {strides = array<i32>} : memref<64xi32, #tpu.memory_space<vmem>>, vector<16xi32>,
      %get3A_173 = arith.constant 0 : i32
      %get3A_174 = tpu.memref_slice %arg6[%add3A_112, %get3A_173] : memref<178x64xi32, #tpu.memory_space<vmem>> -> memref<1x64xi32, #tpu.memory_space<vmem>>
      %get3A_175 = tpu.memref_squeeze %get3A_174 : memref<1x64xi32, #tpu.memory_space<vmem>> -> memref<64xi32, #tpu.memory_space<vmem>>
      %get3A_176 = arith.constant 48 : index
      %get3A_177 = tpu.vector_load %get3A_175[%get3A_176] {strides = array<i32>} : memref<64xi32, #tpu.memory_space<vmem>>, vector<16xi32>,
      %get3A_178 = vector.shape_cast %get3A_177 : vector<16xi32> to vector<16xi32>
      %and3A_179 = arith.constant 16383 : i32
      %and3A_180 = vector.broadcast %and3A_179 : i32 to vector<16xi32>
      %and3A_181 = arith.andi %get3A_178, %and3A_180 : vector<16xi32>
      %swap3A_182 = arith.constant 48 : index
      %swap3A_183 = tpu.vector_load %arg9[%swap3A_182] {strides = array<i32>} : memref<64xi32, #tpu.memory_space<vmem>>, vector<16xi32>,
      %swap3A_184 = vector.shape_cast %swap3A_183 : vector<16xi32> to vector<16xi32>
      %swap3A_185 = vector.shape_cast %and3A_181 : vector<16xi32> to vector<16xi32>
      tpu.vector_store %arg9[%swap3A_182], %swap3A_185 {strides = array<i32>} : memref<64xi32, #tpu.memory_space<vmem>>, vector<16xi32>,
      %shift_right_logical3A_186 = arith.constant 14 : i32
      %shift_right_logical3A_187 = vector.broadcast %shift_right_logical3A_186 : i32 to vector<16xi32>
      %shift_right_logical3A_188 = arith.shrui %get3A_178, %shift_right_logical3A_187 : vector<16xi32>
      %swap3A_189 = arith.constant 48 : index
      %swap3A_190 = tpu.vector_load %arg10[%swap3A_189] {strides = array<i32>} : memref<64xi32, #tpu.memory_space<vmem>>, vector<16xi32>,
      %swap3A_191 = vector.shape_cast %swap3A_190 : vector<16xi32> to vector<16xi32>
      %swap3A_192 = vector.shape_cast %shift_right_logical3A_188 : vector<16xi32> to vector<16xi32>
      tpu.vector_store %arg10[%swap3A_189], %swap3A_192 {strides = array<i32>} : memref<64xi32, #tpu.memory_space<vmem>>, vector<16xi32>,
      %dma_start3A_193 = arith.constant 0 : i32
      %dma_start3A_194 = arith.constant 0 : i32
      %dma_start3A_195 = tpu.memref_slice %arg2[%dma_start3A_193, %dma_start3A_194] : memref<10000x48xf32, #tpu.memory_space<hbm>> -> memref<10000x48xf32, #tpu.memory_space<hbm>>
      tpu.enqueue_indirect_dma source(%dma_start3A_195 : memref<10000x48xf32, #tpu.memory_space<hbm>>) target(%arg12 : memref<64x48xf32, #tpu.memory_space<vmem>>) offsets(%arg9 : memref<64xi32, #tpu.memory_space<vmem>>) semaphore(%arg15 : memref<!tpu.dma_semaphore, #tpu.memory_space<semaphore_mem>>)
      %dma_wait3A = arith.constant 0 : i32
      %dma_wait3A_196 = arith.constant 0 : i32
      %dma_wait3A_197 = tpu.memref_slice %arg2[%dma_wait3A, %dma_wait3A_196] : memref<10000x48xf32, #tpu.memory_space<hbm>> -> memref<10000x48xf32, #tpu.memory_space<hbm>>
      tpu.wait_indirect_dma semaphore(%arg14 : memref<!tpu.dma_semaphore, #tpu.memory_space<semaphore_mem>>) src(%dma_wait3A_197 : memref<10000x48xf32, #tpu.memory_space<hbm>>) dst(%arg11 : memref<64x48xf32, #tpu.memory_space<vmem>>)
      "tpu.region"() ({
        %run_scoped3A = tpu.sem_alloc : memref<!tpu.dma_semaphore, #tpu.memory_space<semaphore_mem>>
        %dma_start3A_204 = arith.constant 0 : i32
        %dma_start3A_205 = arith.constant 0 : i32
        %dma_start3A_206 = tpu.memref_slice %arg13[%dma_start3A_204, %dma_start3A_205] : memref<10112x48xf32, #tpu.memory_space<vmem_shared>> -> memref<10112x48xf32, #tpu.memory_space<vmem_shared>>
        tpu.enqueue_indirect_dma source(%arg11 : memref<64x48xf32, #tpu.memory_space<vmem>>) target(%dma_start3A_206 : memref<10112x48xf32, #tpu.memory_space<vmem_shared>>) offsets(%arg8 : memref<64xi32, #tpu.memory_space<vmem>>) semaphore(%run_scoped3A : memref<!tpu.dma_semaphore, #tpu.memory_space<semaphore_mem>>) {add = true}
        %dma_wait3A_207 = arith.constant 0 : i32
        %dma_wait3A_208 = arith.constant 0 : i32
        %dma_wait3A_209 = tpu.memref_slice %arg13[%dma_wait3A_207, %dma_wait3A_208] : memref<10112x48xf32, #tpu.memory_space<vmem_shared>> -> memref<10112x48xf32, #tpu.memory_space<vmem_shared>>
        tpu.wait_indirect_dma semaphore(%run_scoped3A : memref<!tpu.dma_semaphore, #tpu.memory_space<semaphore_mem>>) src(%arg11 : memref<64x48xf32, #tpu.memory_space<vmem>>) dst(%dma_wait3A_209 : memref<10112x48xf32, #tpu.memory_space<vmem_shared>>)
        tpu.yield
      }) : () -> ()
      %add3A_198 = arith.constant 2 : i32
      %add3A_199 = arith.addi %mul3A_110, %add3A_198 : i32
      %lt3A = arith.cmpi slt, %add3A_199, %select_n3A_15 : i32
      %convert_element_type3A = arith.extui %lt3A : i1 to i32
      %cond3A = arith.constant 0 : i32
      %cond3A_200 = arith.cmpi ne, %convert_element_type3A, %cond3A : i32
      scf.if %cond3A_200 {
        %add3A_204 = arith.constant 2 : i32
        %add3A_205 = arith.addi %mul3A_110, %add3A_204 : i32
        %get3A_206 = arith.constant 0 : i32
        %get3A_207 = tpu.memref_slice %arg6[%add3A_205, %get3A_206] : memref<178x64xi32, #tpu.memory_space<vmem>> -> memref<1x64xi32, #tpu.memory_space<vmem>>
        %get3A_208 = tpu.memref_squeeze %get3A_207 : memref<1x64xi32, #tpu.memory_space<vmem>> -> memref<64xi32, #tpu.memory_space<vmem>>
        %get3A_209 = arith.constant 0 : index
        %get3A_210 = tpu.vector_load %get3A_208[%get3A_209] {strides = array<i32>} : memref<64xi32, #tpu.memory_space<vmem>>, vector<16xi32>,
        %get3A_211 = vector.shape_cast %get3A_210 : vector<16xi32> to vector<16xi32>
        %and3A_212 = arith.constant 16383 : i32
        %and3A_213 = vector.broadcast %and3A_212 : i32 to vector<16xi32>
        %and3A_214 = arith.andi %get3A_211, %and3A_213 : vector<16xi32>
        %swap3A_215 = arith.constant 0 : index
        %swap3A_216 = tpu.vector_load %arg7[%swap3A_215] {strides = array<i32>} : memref<64xi32, #tpu.memory_space<vmem>>, vector<16xi32>,
        %swap3A_217 = vector.shape_cast %swap3A_216 : vector<16xi32> to vector<16xi32>
        %swap3A_218 = vector.shape_cast %and3A_214 : vector<16xi32> to vector<16xi32>
        tpu.vector_store %arg7[%swap3A_215], %swap3A_218 {strides = array<i32>} : memref<64xi32, #tpu.memory_space<vmem>>, vector<16xi32>,
        %shift_right_logical3A_219 = arith.constant 14 : i32
        %shift_right_logical3A_220 = vector.broadcast %shift_right_logical3A_219 : i32 to vector<16xi32>
        %shift_right_logical3A_221 = arith.shrui %get3A_211, %shift_right_logical3A_220 : vector<16xi32>
        %swap3A_222 = arith.constant 0 : index
        %swap3A_223 = tpu.vector_load %arg8[%swap3A_222] {strides = array<i32>} : memref<64xi32, #tpu.memory_space<vmem>>, vector<16xi32>,
        %swap3A_224 = vector.shape_cast %swap3A_223 : vector<16xi32> to vector<16xi32>
        %swap3A_225 = vector.shape_cast %shift_right_logical3A_221 : vector<16xi32> to vector<16xi32>
        tpu.vector_store %arg8[%swap3A_222], %swap3A_225 {strides = array<i32>} : memref<64xi32, #tpu.memory_space<vmem>>, vector<16xi32>,
        %get3A_226 = arith.constant 0 : i32
        %get3A_227 = tpu.memref_slice %arg6[%add3A_205, %get3A_226] : memref<178x64xi32, #tpu.memory_space<vmem>> -> memref<1x64xi32, #tpu.memory_space<vmem>>
        %get3A_228 = tpu.memref_squeeze %get3A_227 : memref<1x64xi32, #tpu.memory_space<vmem>> -> memref<64xi32, #tpu.memory_space<vmem>>
        %get3A_229 = arith.constant 16 : index
        %get3A_230 = tpu.vector_load %get3A_228[%get3A_229] {strides = array<i32>} : memref<64xi32, #tpu.memory_space<vmem>>, vector<16xi32>,
        %get3A_231 = vector.shape_cast %get3A_230 : vector<16xi32> to vector<16xi32>
        %and3A_232 = arith.constant 16383 : i32
        %and3A_233 = vector.broadcast %and3A_232 : i32 to vector<16xi32>
        %and3A_234 = arith.andi %get3A_231, %and3A_233 : vector<16xi32>
        %swap3A_235 = arith.constant 16 : index
        %swap3A_236 = tpu.vector_load %arg7[%swap3A_235] {strides = array<i32>} : memref<64xi32, #tpu.memory_space<vmem>>, vector<16xi32>,
        %swap3A_237 = vector.shape_cast %swap3A_236 : vector<16xi32> to vector<16xi32>
        %swap3A_238 = vector.shape_cast %and3A_234 : vector<16xi32> to vector<16xi32>
        tpu.vector_store %arg7[%swap3A_235], %swap3A_238 {strides = array<i32>} : memref<64xi32, #tpu.memory_space<vmem>>, vector<16xi32>,
        %shift_right_logical3A_239 = arith.constant 14 : i32
        %shift_right_logical3A_240 = vector.broadcast %shift_right_logical3A_239 : i32 to vector<16xi32>
        %shift_right_logical3A_241 = arith.shrui %get3A_231, %shift_right_logical3A_240 : vector<16xi32>
        %swap3A_242 = arith.constant 16 : index
        %swap3A_243 = tpu.vector_load %arg8[%swap3A_242] {strides = array<i32>} : memref<64xi32, #tpu.memory_space<vmem>>, vector<16xi32>,
        %swap3A_244 = vector.shape_cast %swap3A_243 : vector<16xi32> to vector<16xi32>
        %swap3A_245 = vector.shape_cast %shift_right_logical3A_241 : vector<16xi32> to vector<16xi32>
        tpu.vector_store %arg8[%swap3A_242], %swap3A_245 {strides = array<i32>} : memref<64xi32, #tpu.memory_space<vmem>>, vector<16xi32>,
        %get3A_246 = arith.constant 0 : i32
        %get3A_247 = tpu.memref_slice %arg6[%add3A_205, %get3A_246] : memref<178x64xi32, #tpu.memory_space<vmem>> -> memref<1x64xi32, #tpu.memory_space<vmem>>
        %get3A_248 = tpu.memref_squeeze %get3A_247 : memref<1x64xi32, #tpu.memory_space<vmem>> -> memref<64xi32, #tpu.memory_space<vmem>>
        %get3A_249 = arith.constant 32 : index
        %get3A_250 = tpu.vector_load %get3A_248[%get3A_249] {strides = array<i32>} : memref<64xi32, #tpu.memory_space<vmem>>, vector<16xi32>,
        %get3A_251 = vector.shape_cast %get3A_250 : vector<16xi32> to vector<16xi32>
        %and3A_252 = arith.constant 16383 : i32
        %and3A_253 = vector.broadcast %and3A_252 : i32 to vector<16xi32>
        %and3A_254 = arith.andi %get3A_251, %and3A_253 : vector<16xi32>
        %swap3A_255 = arith.constant 32 : index
        %swap3A_256 = tpu.vector_load %arg7[%swap3A_255] {strides = array<i32>} : memref<64xi32, #tpu.memory_space<vmem>>, vector<16xi32>,
        %swap3A_257 = vector.shape_cast %swap3A_256 : vector<16xi32> to vector<16xi32>
        %swap3A_258 = vector.shape_cast %and3A_254 : vector<16xi32> to vector<16xi32>
        tpu.vector_store %arg7[%swap3A_255], %swap3A_258 {strides = array<i32>} : memref<64xi32, #tpu.memory_space<vmem>>, vector<16xi32>,
        %shift_right_logical3A_259 = arith.constant 14 : i32
        %shift_right_logical3A_260 = vector.broadcast %shift_right_logical3A_259 : i32 to vector<16xi32>
        %shift_right_logical3A_261 = arith.shrui %get3A_251, %shift_right_logical3A_260 : vector<16xi32>
        %swap3A_262 = arith.constant 32 : index
        %swap3A_263 = tpu.vector_load %arg8[%swap3A_262] {strides = array<i32>} : memref<64xi32, #tpu.memory_space<vmem>>, vector<16xi32>,
        %swap3A_264 = vector.shape_cast %swap3A_263 : vector<16xi32> to vector<16xi32>
        %swap3A_265 = vector.shape_cast %shift_right_logical3A_261 : vector<16xi32> to vector<16xi32>
        tpu.vector_store %arg8[%swap3A_262], %swap3A_265 {strides = array<i32>} : memref<64xi32, #tpu.memory_space<vmem>>, vector<16xi32>,
        %get3A_266 = arith.constant 0 : i32
        %get3A_267 = tpu.memref_slice %arg6[%add3A_205, %get3A_266] : memref<178x64xi32, #tpu.memory_space<vmem>> -> memref<1x64xi32, #tpu.memory_space<vmem>>
        %get3A_268 = tpu.memref_squeeze %get3A_267 : memref<1x64xi32, #tpu.memory_space<vmem>> -> memref<64xi32, #tpu.memory_space<vmem>>
        %get3A_269 = arith.constant 48 : index
        %get3A_270 = tpu.vector_load %get3A_268[%get3A_269] {strides = array<i32>} : memref<64xi32, #tpu.memory_space<vmem>>, vector<16xi32>,
        %get3A_271 = vector.shape_cast %get3A_270 : vector<16xi32> to vector<16xi32>
        %and3A_272 = arith.constant 16383 : i32
        %and3A_273 = vector.broadcast %and3A_272 : i32 to vector<16xi32>
        %and3A_274 = arith.andi %get3A_271, %and3A_273 : vector<16xi32>
        %swap3A_275 = arith.constant 48 : index
        %swap3A_276 = tpu.vector_load %arg7[%swap3A_275] {strides = array<i32>} : memref<64xi32, #tpu.memory_space<vmem>>, vector<16xi32>,
        %swap3A_277 = vector.shape_cast %swap3A_276 : vector<16xi32> to vector<16xi32>
        %swap3A_278 = vector.shape_cast %and3A_274 : vector<16xi32> to vector<16xi32>
        tpu.vector_store %arg7[%swap3A_275], %swap3A_278 {strides = array<i32>} : memref<64xi32, #tpu.memory_space<vmem>>, vector<16xi32>,
        %shift_right_logical3A_279 = arith.constant 14 : i32
        %shift_right_logical3A_280 = vector.broadcast %shift_right_logical3A_279 : i32 to vector<16xi32>
        %shift_right_logical3A_281 = arith.shrui %get3A_271, %shift_right_logical3A_280 : vector<16xi32>
        %swap3A_282 = arith.constant 48 : index
        %swap3A_283 = tpu.vector_load %arg8[%swap3A_282] {strides = array<i32>} : memref<64xi32, #tpu.memory_space<vmem>>, vector<16xi32>,
        %swap3A_284 = vector.shape_cast %swap3A_283 : vector<16xi32> to vector<16xi32>
        %swap3A_285 = vector.shape_cast %shift_right_logical3A_281 : vector<16xi32> to vector<16xi32>
        tpu.vector_store %arg8[%swap3A_282], %swap3A_285 {strides = array<i32>} : memref<64xi32, #tpu.memory_space<vmem>>, vector<16xi32>,
        %dma_start3A_286 = arith.constant 0 : i32
        %dma_start3A_287 = arith.constant 0 : i32
        %dma_start3A_288 = tpu.memref_slice %arg2[%dma_start3A_286, %dma_start3A_287] : memref<10000x48xf32, #tpu.memory_space<hbm>> -> memref<10000x48xf32, #tpu.memory_space<hbm>>
        tpu.enqueue_indirect_dma source(%dma_start3A_288 : memref<10000x48xf32, #tpu.memory_space<hbm>>) target(%arg11 : memref<64x48xf32, #tpu.memory_space<vmem>>) offsets(%arg7 : memref<64xi32, #tpu.memory_space<vmem>>) semaphore(%arg14 : memref<!tpu.dma_semaphore, #tpu.memory_space<semaphore_mem>>)
      } else {
      }
      %dma_wait3A_201 = arith.constant 0 : i32
      %dma_wait3A_202 = arith.constant 0 : i32
      %dma_wait3A_203 = tpu.memref_slice %arg2[%dma_wait3A_201, %dma_wait3A_202] : memref<10000x48xf32, #tpu.memory_space<hbm>> -> memref<10000x48xf32, #tpu.memory_space<hbm>>
      tpu.wait_indirect_dma semaphore(%arg15 : memref<!tpu.dma_semaphore, #tpu.memory_space<semaphore_mem>>) src(%dma_wait3A_203 : memref<10000x48xf32, #tpu.memory_space<hbm>>) dst(%arg12 : memref<64x48xf32, #tpu.memory_space<vmem>>)
      "tpu.region"() ({
        %run_scoped3A = tpu.sem_alloc : memref<!tpu.dma_semaphore, #tpu.memory_space<semaphore_mem>>
        %dma_start3A_204 = arith.constant 0 : i32
        %dma_start3A_205 = arith.constant 0 : i32
        %dma_start3A_206 = tpu.memref_slice %arg13[%dma_start3A_204, %dma_start3A_205] : memref<10112x48xf32, #tpu.memory_space<vmem_shared>> -> memref<10112x48xf32, #tpu.memory_space<vmem_shared>>
        tpu.enqueue_indirect_dma source(%arg12 : memref<64x48xf32, #tpu.memory_space<vmem>>) target(%dma_start3A_206 : memref<10112x48xf32, #tpu.memory_space<vmem_shared>>) offsets(%arg10 : memref<64xi32, #tpu.memory_space<vmem>>) semaphore(%run_scoped3A : memref<!tpu.dma_semaphore, #tpu.memory_space<semaphore_mem>>) {add = true}
        %dma_wait3A_207 = arith.constant 0 : i32
        %dma_wait3A_208 = arith.constant 0 : i32
        %dma_wait3A_209 = tpu.memref_slice %arg13[%dma_wait3A_207, %dma_wait3A_208] : memref<10112x48xf32, #tpu.memory_space<vmem_shared>> -> memref<10112x48xf32, #tpu.memory_space<vmem_shared>>
        tpu.wait_indirect_dma semaphore(%run_scoped3A : memref<!tpu.dma_semaphore, #tpu.memory_space<semaphore_mem>>) src(%arg12 : memref<64x48xf32, #tpu.memory_space<vmem>>) dst(%dma_wait3A_209 : memref<10112x48xf32, #tpu.memory_space<vmem_shared>>)
        tpu.yield
      }) : () -> ()
    }
    %barrier3A_107 = arith.constant 0 : index
    tpu.barrier barrier_id(%barrier3A_107)
    "tpu.region"() ({
      %run_scoped3A = tpu.sem_alloc : memref<!tpu.dma_semaphore, #tpu.memory_space<semaphore_mem>>
      %dma_start3A_108 = arith.constant 0 : i32
      %dma_start3A_109 = tpu.memref_slice %arg5[%arg0, %mul3A_0, %dma_start3A_108] : memref<2x10112x48xf32, #tpu.memory_space<hbm>> -> memref<1x632x48xf32, #tpu.memory_space<hbm>>
      %dma_start3A_110 = tpu.memref_squeeze %dma_start3A_109 : memref<1x632x48xf32, #tpu.memory_space<hbm>> -> memref<632x48xf32, #tpu.memory_space<hbm>>
      %dma_start3A_111 = arith.constant 0 : i32
      %dma_start3A_112 = tpu.memref_slice %arg13[%mul3A_0, %dma_start3A_111] : memref<10112x48xf32, #tpu.memory_space<vmem_shared>> -> memref<632x48xf32, #tpu.memory_space<vmem_shared>>
      tpu.enqueue_dma source(%dma_start3A_112 : memref<632x48xf32, #tpu.memory_space<vmem_shared>>) target(%dma_start3A_110 : memref<632x48xf32, #tpu.memory_space<hbm>>) target_semaphore(%run_scoped3A : memref<!tpu.dma_semaphore, #tpu.memory_space<semaphore_mem>>)
      %dma_wait3A = arith.constant 0 : i32
      %dma_wait3A_113 = tpu.memref_slice %arg5[%arg0, %mul3A_0, %dma_wait3A] : memref<2x10112x48xf32, #tpu.memory_space<hbm>> -> memref<1x632x48xf32, #tpu.memory_space<hbm>>
      %dma_wait3A_114 = tpu.memref_squeeze %dma_wait3A_113 : memref<1x632x48xf32, #tpu.memory_space<hbm>> -> memref<632x48xf32, #tpu.memory_space<hbm>>
      %dma_wait3A_115 = arith.constant 0 : i32
      %dma_wait3A_116 = tpu.memref_slice %arg13[%mul3A_0, %dma_wait3A_115] : memref<10112x48xf32, #tpu.memory_space<vmem_shared>> -> memref<632x48xf32, #tpu.memory_space<vmem_shared>>
      tpu.wait_dma2 semaphore(%run_scoped3A : memref<!tpu.dma_semaphore, #tpu.memory_space<semaphore_mem>>) src(%dma_wait3A_116 : memref<632x48xf32, #tpu.memory_space<vmem_shared>>) dst(%dma_wait3A_114 : memref<632x48xf32, #tpu.memory_space<hbm>>)
      tpu.yield
    }) : () -> ()
    return
  }
}

module attributes {stable_mosaic.version = 14 : i64} {
  func.func @_tc_mid_body(%arg0: i32, %arg1: memref<5000x128xf32, #tpu.memory_space<vmem>>, %arg2: memref<2x5000x128xf32, #tpu.memory_space<vmem>>, %arg3: memref<2x5000x16xf32, #tpu.memory_space<vmem>>, %arg4: memref<128x128xf32, #tpu.memory_space<vmem>>, %arg5: memref<128x128xf32, #tpu.memory_space<vmem>>, %arg6: memref<1x128xf32, #tpu.memory_space<vmem>>, %arg7: memref<128x48xf32, #tpu.memory_space<vmem>>, %arg8: memref<128x48xf32, #tpu.memory_space<vmem>>, %arg9: memref<5000x48xf32, #tpu.memory_space<vmem>>, %arg10: memref<5000x48xf32, #tpu.memory_space<vmem>>) attributes {dimension_semantics = [#tpu.dimension_semantics<arbitrary>], iteration_bounds = array<i64: 2>, scalar_prefetch = 0 : i64, scratch_operands = 0 : i64, tpu.core_type = #tpu.core_type<tc>, window_params = [{transform_indices = @transform_0, window_bounds = array<i64: 5000, 128>}, {transform_indices = @transform_1, window_bounds = array<i64: 2, 5000, 128>}, {transform_indices = @transform_2, window_bounds = array<i64: 2, 5000, 16>}, {pipeline_mode = #tpu.pipeline_mode<synchronous>, transform_indices = @transform_3, window_bounds = array<i64: 128, 128>}, {pipeline_mode = #tpu.pipeline_mode<synchronous>, transform_indices = @transform_4, window_bounds = array<i64: 128, 128>}, {pipeline_mode = #tpu.pipeline_mode<synchronous>, transform_indices = @transform_5, window_bounds = array<i64: 1, 128>}, {pipeline_mode = #tpu.pipeline_mode<synchronous>, transform_indices = @transform_6, window_bounds = array<i64: 128, 48>}, {pipeline_mode = #tpu.pipeline_mode<synchronous>, transform_indices = @transform_7, window_bounds = array<i64: 128, 48>}, {transform_indices = @transform_8, window_bounds = array<i64: 5000, 48>}, {transform_indices = @transform_9, window_bounds = array<i64: 5000, 48>}]} {
    %get3A = arith.constant 0 : index
    %get3A_0 = arith.constant 0 : index
    %get3A_1 = arith.constant 0 : index
    %get3A_2 = vector.load %arg3[%get3A, %get3A_0, %get3A_1] : memref<2x5000x16xf32, #tpu.memory_space<vmem>>, vector<1x5000x16xf32>
    %get3A_3 = vector.shape_cast %get3A_2 : vector<1x5000x16xf32> to vector<5000x16xf32>
    %slice3A = vector.extract_strided_slice %get3A_3 {offsets = [0, 0], sizes = [5000, 1], strides = [1, 1]} : vector<5000x16xf32> to vector<5000x1xf32>
    %get3A_4 = arith.constant 1 : index
    %get3A_5 = arith.constant 0 : index
    %get3A_6 = arith.constant 0 : index
    %get3A_7 = vector.load %arg3[%get3A_4, %get3A_5, %get3A_6] : memref<2x5000x16xf32, #tpu.memory_space<vmem>>, vector<1x5000x16xf32>
    %get3A_8 = vector.shape_cast %get3A_7 : vector<1x5000x16xf32> to vector<5000x16xf32>
    %slice3A_9 = vector.extract_strided_slice %get3A_8 {offsets = [0, 0], sizes = [5000, 1], strides = [1, 1]} : vector<5000x16xf32> to vector<5000x1xf32>
    %add3A = arith.addf %slice3A, %slice3A_9 : vector<5000x1xf32>
    %jit3A = arith.constant 1.000000e+00 : f32
    %max3A = vector.broadcast %jit3A : f32 to vector<5000x1xf32>
    %max3A_10 = arith.maximumf %max3A, %add3A : vector<5000x1xf32>
    %get3A_11 = arith.constant 0 : index
    %get3A_12 = arith.constant 0 : index
    %get3A_13 = arith.constant 0 : index
    %get3A_14 = vector.load %arg2[%get3A_11, %get3A_12, %get3A_13] : memref<2x5000x128xf32, #tpu.memory_space<vmem>>, vector<1x5000x128xf32>
    %get3A_15 = vector.shape_cast %get3A_14 : vector<1x5000x128xf32> to vector<5000x128xf32>
    %get3A_16 = arith.constant 1 : index
    %get3A_17 = arith.constant 0 : index
    %get3A_18 = arith.constant 0 : index
    %get3A_19 = vector.load %arg2[%get3A_16, %get3A_17, %get3A_18] : memref<2x5000x128xf32, #tpu.memory_space<vmem>>, vector<1x5000x128xf32>
    %get3A_20 = vector.shape_cast %get3A_19 : vector<1x5000x128xf32> to vector<5000x128xf32>
    %add3A_21 = arith.addf %get3A_15, %get3A_20 : vector<5000x128xf32>
    %div3A = vector.broadcast %max3A_10 : vector<5000x1xf32> to vector<5000x128xf32>
    %div3A_22 = arith.divf %add3A_21, %div3A : vector<5000x128xf32>
    %get3A_23 = arith.constant 0 : index
    %get3A_24 = arith.constant 0 : index
    %get3A_25 = vector.load %arg1[%get3A_23, %get3A_24] : memref<5000x128xf32, #tpu.memory_space<vmem>>, vector<5000x128xf32>
    %get3A_26 = arith.constant 0 : index
    %get3A_27 = arith.constant 0 : index
    %get3A_28 = vector.load %arg4[%get3A_26, %get3A_27] : memref<128x128xf32, #tpu.memory_space<vmem>>, vector<128x128xf32>
    %dot_general3A = arith.constant dense<0.000000e+00> : vector<5000x128xf32>
    %dot_general3A_29 = tpu.matmul %get3A_25, %get3A_28, %dot_general3A {dimension_numbers = #tpu.dot_dimension_numbers<[1], [0], [0], [1], [0, 0, 1, 1], [], []>, transpose_lhs_hint = false} : vector<5000x128xf32>, vector<128x128xf32>, vector<5000x128xf32> -> vector<5000x128xf32>
    %get3A_30 = arith.constant 0 : index
    %get3A_31 = arith.constant 0 : index
    %get3A_32 = vector.load %arg5[%get3A_30, %get3A_31] : memref<128x128xf32, #tpu.memory_space<vmem>>, vector<128x128xf32>
    %dot_general3A_33 = arith.constant dense<0.000000e+00> : vector<5000x128xf32>
    %dot_general3A_34 = tpu.matmul %div3A_22, %get3A_32, %dot_general3A_33 {dimension_numbers = #tpu.dot_dimension_numbers<[1], [0], [0], [1], [0, 0, 1, 1], [], []>, transpose_lhs_hint = false} : vector<5000x128xf32>, vector<128x128xf32>, vector<5000x128xf32> -> vector<5000x128xf32>
    %add3A_35 = arith.addf %dot_general3A_29, %dot_general3A_34 : vector<5000x128xf32>
    %get3A_36 = arith.constant 0 : index
    %get3A_37 = arith.constant 0 : index
    %get3A_38 = vector.load %arg6[%get3A_36, %get3A_37] : memref<1x128xf32, #tpu.memory_space<vmem>>, vector<1x128xf32>
    %add3A_39 = vector.broadcast %get3A_38 : vector<1x128xf32> to vector<5000x128xf32>
    %add3A_40 = arith.addf %add3A_35, %add3A_39 : vector<5000x128xf32>
    %max3A_41 = arith.constant 0.000000e+00 : f32
    %max3A_42 = vector.broadcast %max3A_41 : f32 to vector<5000x128xf32>
    %max3A_43 = arith.maximumf %add3A_40, %max3A_42 : vector<5000x128xf32>
    %get3A_44 = arith.constant 0 : index
    %get3A_45 = arith.constant 0 : index
    %get3A_46 = vector.load %arg7[%get3A_44, %get3A_45] : memref<128x48xf32, #tpu.memory_space<vmem>>, vector<128x48xf32>
    %dot_general3A_47 = arith.constant dense<0.000000e+00> : vector<5000x48xf32>
    %dot_general3A_48 = tpu.matmul %max3A_43, %get3A_46, %dot_general3A_47 {dimension_numbers = #tpu.dot_dimension_numbers<[1], [0], [0], [1], [0, 0, 1, 1], [], []>, transpose_lhs_hint = false} : vector<5000x128xf32>, vector<128x48xf32>, vector<5000x48xf32> -> vector<5000x48xf32>
    %iota3A = tpu.iota {dimensions = array<i32: 1>} : vector<5000x48xi32>
    %eq3A = arith.constant 47 : i32
    %eq3A_49 = vector.broadcast %eq3A : i32 to vector<5000x48xi32>
    %eq3A_50 = arith.cmpi eq, %iota3A, %eq3A_49 : vector<5000x48xi32>
    %jit3A_51 = arith.constant 1.000000e+00 : f32
    %broadcast_in_dim3A = vector.broadcast %jit3A_51 : f32 to vector<5000x48xf32>
    %select_n3A = arith.select %eq3A_50, %broadcast_in_dim3A, %dot_general3A_48 : vector<5000x48xi1>, vector<5000x48xf32>
    %swap3A = arith.constant 0 : index
    %swap3A_52 = arith.constant 0 : index
    %swap3A_53 = vector.load %arg9[%swap3A, %swap3A_52] : memref<5000x48xf32, #tpu.memory_space<vmem>>, vector<5000x48xf32>
    tpu.vector_store %arg9[%swap3A, %swap3A_52], %select_n3A {strides = array<i32>} : memref<5000x48xf32, #tpu.memory_space<vmem>>, vector<5000x48xf32>,
    %get3A_54 = arith.constant 0 : index
    %get3A_55 = arith.constant 0 : index
    %get3A_56 = vector.load %arg8[%get3A_54, %get3A_55] : memref<128x48xf32, #tpu.memory_space<vmem>>, vector<128x48xf32>
    %dot_general3A_57 = arith.constant dense<0.000000e+00> : vector<5000x48xf32>
    %dot_general3A_58 = tpu.matmul %max3A_43, %get3A_56, %dot_general3A_57 {dimension_numbers = #tpu.dot_dimension_numbers<[1], [0], [0], [1], [0, 0, 1, 1], [], []>, transpose_lhs_hint = false} : vector<5000x128xf32>, vector<128x48xf32>, vector<5000x48xf32> -> vector<5000x48xf32>
    %swap3A_59 = arith.constant 0 : index
    %swap3A_60 = arith.constant 0 : index
    %swap3A_61 = vector.load %arg10[%swap3A_59, %swap3A_60] : memref<5000x48xf32, #tpu.memory_space<vmem>>, vector<5000x48xf32>
    tpu.vector_store %arg10[%swap3A_59, %swap3A_60], %dot_general3A_58 {strides = array<i32>} : memref<5000x48xf32, #tpu.memory_space<vmem>>, vector<5000x48xf32>,
    return
  }
  func.func @transform_0(%arg0: i32) -> (i32, i32) {
    %c0_i32 = arith.constant 0 : i32
    %c0_i32_0 = arith.constant 0 : i32
    return %arg0, %c0_i32 : i32, i32
  }
  func.func @transform_1(%arg0: i32) -> (i32, i32, i32) {
    %c0_i32 = arith.constant 0 : i32
    %c0_i32_0 = arith.constant 0 : i32
    %c0_i32_1 = arith.constant 0 : i32
    return %c0_i32, %arg0, %c0_i32_0 : i32, i32, i32
  }
  func.func @transform_2(%arg0: i32) -> (i32, i32, i32) {
    %c0_i32 = arith.constant 0 : i32
    %c0_i32_0 = arith.constant 0 : i32
    %c0_i32_1 = arith.constant 0 : i32
    return %c0_i32, %arg0, %c0_i32_0 : i32, i32, i32
  }
  func.func @transform_3(%arg0: i32) -> (i32, i32) {
    %c0_i32 = arith.constant 0 : i32
    %c0_i32_0 = arith.constant 0 : i32
    %c0_i32_1 = arith.constant 0 : i32
    return %c0_i32, %c0_i32_0 : i32, i32
  }
  func.func @transform_4(%arg0: i32) -> (i32, i32) {
    %c0_i32 = arith.constant 0 : i32
    %c0_i32_0 = arith.constant 0 : i32
    %c0_i32_1 = arith.constant 0 : i32
    return %c0_i32, %c0_i32_0 : i32, i32
  }
  func.func @transform_5(%arg0: i32) -> (i32, i32) {
    %c0_i32 = arith.constant 0 : i32
    %c0_i32_0 = arith.constant 0 : i32
    %c0_i32_1 = arith.constant 0 : i32
    return %c0_i32, %c0_i32_0 : i32, i32
  }
  func.func @transform_6(%arg0: i32) -> (i32, i32) {
    %c0_i32 = arith.constant 0 : i32
    %c0_i32_0 = arith.constant 0 : i32
    %c0_i32_1 = arith.constant 0 : i32
    return %c0_i32, %c0_i32_0 : i32, i32
  }
  func.func @transform_7(%arg0: i32) -> (i32, i32) {
    %c0_i32 = arith.constant 0 : i32
    %c0_i32_0 = arith.constant 0 : i32
    %c0_i32_1 = arith.constant 0 : i32
    return %c0_i32, %c0_i32_0 : i32, i32
  }
  func.func @transform_8(%arg0: i32) -> (i32, i32) {
    %c0_i32 = arith.constant 0 : i32
    %c0_i32_0 = arith.constant 0 : i32
    return %arg0, %c0_i32 : i32, i32
  }
  func.func @transform_9(%arg0: i32) -> (i32, i32) {
    %c0_i32 = arith.constant 0 : i32
    %c0_i32_0 = arith.constant 0 : i32
    return %arg0, %c0_i32 : i32, i32
  }
}

module attributes {stable_mosaic.version = 14 : i64} {
  func.func @_tc_out_body(%arg0: i32, %arg1: memref<5000x48xf32, #tpu.memory_space<vmem>>, %arg2: memref<2x5000x48xf32, #tpu.memory_space<vmem>>, %arg3: memref<1x48xf32, #tpu.memory_space<vmem>>, %arg4: memref<5000x48xf32, #tpu.memory_space<vmem>>) attributes {dimension_semantics = [#tpu.dimension_semantics<arbitrary>], iteration_bounds = array<i64: 2>, scalar_prefetch = 0 : i64, scratch_operands = 0 : i64, tpu.core_type = #tpu.core_type<tc>, window_params = [{transform_indices = @transform_0, window_bounds = array<i64: 5000, 48>}, {transform_indices = @transform_1, window_bounds = array<i64: 2, 5000, 48>}, {pipeline_mode = #tpu.pipeline_mode<synchronous>, transform_indices = @transform_2, window_bounds = array<i64: 1, 48>}, {transform_indices = @transform_3, window_bounds = array<i64: 5000, 48>}]} {
    %get3A = arith.constant 0 : index
    %get3A_0 = arith.constant 0 : index
    %get3A_1 = arith.constant 0 : index
    %get3A_2 = vector.load %arg2[%get3A, %get3A_0, %get3A_1] : memref<2x5000x48xf32, #tpu.memory_space<vmem>>, vector<1x5000x48xf32>
    %get3A_3 = vector.shape_cast %get3A_2 : vector<1x5000x48xf32> to vector<5000x48xf32>
    %get3A_4 = arith.constant 1 : index
    %get3A_5 = arith.constant 0 : index
    %get3A_6 = arith.constant 0 : index
    %get3A_7 = vector.load %arg2[%get3A_4, %get3A_5, %get3A_6] : memref<2x5000x48xf32, #tpu.memory_space<vmem>>, vector<1x5000x48xf32>
    %get3A_8 = vector.shape_cast %get3A_7 : vector<1x5000x48xf32> to vector<5000x48xf32>
    %add3A = arith.addf %get3A_3, %get3A_8 : vector<5000x48xf32>
    %slice3A = vector.extract_strided_slice %add3A {offsets = [0, 47], sizes = [5000, 1], strides = [1, 1]} : vector<5000x48xf32> to vector<5000x1xf32>
    %jit3A = arith.constant 1.000000e+00 : f32
    %max3A = vector.broadcast %jit3A : f32 to vector<5000x1xf32>
    %max3A_9 = arith.maximumf %max3A, %slice3A : vector<5000x1xf32>
    %get3A_10 = arith.constant 0 : index
    %get3A_11 = arith.constant 0 : index
    %get3A_12 = vector.load %arg1[%get3A_10, %get3A_11] : memref<5000x48xf32, #tpu.memory_space<vmem>>, vector<5000x48xf32>
    %div3A = vector.broadcast %max3A_9 : vector<5000x1xf32> to vector<5000x48xf32>
    %div3A_13 = arith.divf %add3A, %div3A : vector<5000x48xf32>
    %add3A_14 = arith.addf %get3A_12, %div3A_13 : vector<5000x48xf32>
    %get3A_15 = arith.constant 0 : index
    %get3A_16 = arith.constant 0 : index
    %get3A_17 = vector.load %arg3[%get3A_15, %get3A_16] : memref<1x48xf32, #tpu.memory_space<vmem>>, vector<1x48xf32>
    %add3A_18 = vector.broadcast %get3A_17 : vector<1x48xf32> to vector<5000x48xf32>
    %add3A_19 = arith.addf %add3A_14, %add3A_18 : vector<5000x48xf32>
    %swap3A = arith.constant 0 : index
    %swap3A_20 = arith.constant 0 : index
    %swap3A_21 = vector.load %arg4[%swap3A, %swap3A_20] : memref<5000x48xf32, #tpu.memory_space<vmem>>, vector<5000x48xf32>
    tpu.vector_store %arg4[%swap3A, %swap3A_20], %add3A_19 {strides = array<i32>} : memref<5000x48xf32, #tpu.memory_space<vmem>>, vector<5000x48xf32>,
    return
  }
  func.func @transform_0(%arg0: i32) -> (i32, i32) {
    %c0_i32 = arith.constant 0 : i32
    %c0_i32_0 = arith.constant 0 : i32
    return %arg0, %c0_i32 : i32, i32
  }
  func.func @transform_1(%arg0: i32) -> (i32, i32, i32) {
    %c0_i32 = arith.constant 0 : i32
    %c0_i32_0 = arith.constant 0 : i32
    %c0_i32_1 = arith.constant 0 : i32
    return %c0_i32, %arg0, %c0_i32_0 : i32, i32, i32
  }
  func.func @transform_2(%arg0: i32) -> (i32, i32) {
    %c0_i32 = arith.constant 0 : i32
    %c0_i32_0 = arith.constant 0 : i32
    %c0_i32_1 = arith.constant 0 : i32
    return %c0_i32, %c0_i32_0 : i32, i32
  }
  func.func @transform_3(%arg0: i32) -> (i32, i32) {
    %c0_i32 = arith.constant 0 : i32
    %c0_i32_0 = arith.constant 0 : i32
    return %arg0, %c0_i32 : i32, i32
  }
}

</mosaic_0001>

<sc_bundles>
// kernel: kernel.6.cloned.1.call-start
scs
__scs_entry_jumppad:
0x0: {  	(pc) =	sbr.rel $0x88, $3  }
0x1: {  	(tag) =	ssettag $0x0;
	lr =	simm.s32 $0x1  }
0x2: {  	[smem:$0x3F98] =	sst lr;
	_ =	strace $0xD0000000  }
0x3: {  	_ = 	snop  }
0x4: {  	_ = 	snop  }
0x5: {  	_ = 	snop  }
0x6: {  	_ = 	snop  }
0x7: {  	_ = 	snop  }
__scs_overlays_trampoline_lowered:
0x8: {  	[smem:$0x3FA7] =	sst s0  }
0x9: {  	[smem:$0x3FA8] =	sst s1  }
0xa: {  	[smem:$0x3FA9] =	sst s2  }
0xb: {  	[smem:$0x3FAA] =	sst s3  }
0xc: {  	[smem:$0x3FAB] =	sst s4  }
0xd: {  	[smem:$0x3FAC] =	sst s5  }
0xe: {  	[smem:$0x3FAD] =	sst s6  }
0xf: {  	[smem:$0x3FAE] =	sst s7  }
0x10: {  	[smem:$0x3FAF] =	sst s8  }
0x11: {  	[smem:$0x3FB0] =	sst s9;
	s0 =	simm.s32 @!p0 $0x0  }
0x12: {  	s1 =	sld [smem:$0x3F96];
	s0 =	simm.s32 @p0 $0x1  }
0x13: {  	[smem:$0x3FB1] =	sst s0;
	s0 =	simm.s32 @!p1 $0x0  }
0x14: {  	s2 =	sld [smem:$0x3F95];
	s0 =	simm.s32 @p1 $0x1  }
0x15: {  	[smem:$0x3FB2] =	sst s0;
	s0 =	simm.s32 @!p2 $0x0  }
0x16: {  	s3 =	sld [smem:$0x3FDB];
	s0 =	simm.s32 @p2 $0x1  }
0x17: {  	s4 =	simm.s32 $0x1BF5;
	[smem:$0x3FB4] =	sst s0  }
0x18: {  	s0 =	sld [smem:$0x3F97];
	_ =	swait.ge [sflag:s4], $0x0  }
0x19: {  	s7 =	sld [smem:$0x3F98]  }
0x1a: {  	s8 =	sadd.s32 $0xFFFFE003, lr  }
0x1b: {  	s9 =	sadd.s32 $0xFFFFFEF7, lr;
	s5 =	simm.s32 $0xFFFFFFFF;
	p2 =	slt.u32 s8, $0xFFFFF086  }
0x1c: {  	p1 =	slt.u32 s9, $0xF7A;
	s5 =	simm.s32 @!p2 $0x0  }
0x1d: {  	s5 =	simm.s32 @p1 $0x1;
	p0 =	seq.s32 s7, s2  }
0x1e: {  	s7 =	smul.u32 @!p0 $0xF7A, s2;
	p2 =	seq.s32 @!p0 s5, $0x0  }
0x1f: {  	s9 =	smul.u32 $0xF7A, s1;
	s8 =	simm.s32 @!p0 $0x1BF5;
	p2 =	por !p2, p0  }
0x20: {  	[sflag:s8] =	ssyncset.s32 @!p0 $0xFFFFF086;
	s6 =	sadd.s32 @!p0 s3, s7;
	s7 =	simm.s32 @!p0 $0x108  }
0x21: {  	s3 =	sadd.s32 s3, s9;
	s6 =	sadd.s32 @!p0 $0x88, s6;
	s7 =	simm.s32 @p2 $0x1082  }
0x22: {  	[simem:s7], [sflag:s8] =	dma.local @!p0 [hbm:s6], $0xF7A  }
0x23: {  	s9 =	sor.u32 $0xD0000000, s2;
	s6 =	simm.s32 $0x108;
	_ =	swait.ge @!p0 [sflag:s8], $0x0  }
0x24: {  	s3 =	sadd.s32 $0x88, s3;
	s6 =	simm.s32 @!p1 $0x1082;
	[sflag:s4] =	ssyncset.s32 $0xFFFFF086  }
0x25: {  	[simem:s6], [sflag:s4] =	dma.local [hbm:s3], $0xF7A  }
0x26: {  	[smem:$0x3F98] =	sst s1;
	(tag) =	ssettag s2;
	_ =	strace s9  }
0x27: {  	s1 =	sld [smem:$0x3FA8]  }
0x28: {  	s2 =	sld [smem:$0x3FA9]  }
0x29: {  	s4 =	sld [smem:$0x3FAB]  }
0x2a: {  	p0 =	seq.s32 s5, $0x0;
	s5 =	sld [smem:$0x3FAC]  }
0x2b: {  	s6 =	sld [smem:$0x3FAD]  }
0x2c: {  	s7 =	sld [smem:$0x3FAE]  }
0x2d: {  	s3 =	simm.s32 $0x108;
	s8 =	sld [smem:$0x3FAF]  }
0x2e: {  	s3 =	simm.s32 @!p0 $0x1082;
	s9 =	sld [smem:$0x3FB0]  }
0x2f: {  	lr =	sadd.s32 s0, s3;
	s0 =	sld [smem:$0x3FA7]  }
0x30: {  	s3 =	sld [smem:$0x3FAA]  }
0x31: {  	[smem:$0x3FB3] =	sst s10  }
0x32: {  	s10 =	sld [smem:$0x3FB1];
	_ =	sdelay $0x3  }
0x33: {  	p0 =	seq.s32 s10, $0x1;
	s10 =	sld [smem:$0x3FB3];
	_ =	sdelay $0x3  }
0x34: {  	[smem:$0x3FB3] =	sst s10  }
0x35: {  	s10 =	sld [smem:$0x3FB2];
	_ =	sdelay $0x3  }
0x36: {  	p1 =	seq.s32 s10, $0x1;
	s10 =	sld [smem:$0x3FB3];
	_ =	sdelay $0x3  }
0x37: {  	[smem:$0x3FB3] =	sst s10  }
0x38: {  	s10 =	sld [smem:$0x3FB4]  }
0x39: {  	_ = 	snop;
	(pc) =	sbr.ind lr, $3  }
0x3a: {  	_ = 	snop  }
0x3b: {  	_ = 	snop  }
0x3c: {  	p2 =	seq.s32 s10, $0x1;
	s10 =	sld [smem:$0x3FB3]  }
0x3d: {  	_ =	shalt  }
0x3e: {  	_ =	shalt  }
0x3f: {  	_ =	shalt  }
0x40: {  	_ =	shalt  }
0x41: {  	_ =	shalt  }
0x42: {  	_ =	shalt  }
0x43: {  	_ =	shalt  }
0x44: {  	_ =	shalt  }
0x45: {  	_ =	shalt  }
0x46: {  	_ =	shalt  }
0x47: {  	_ =	shalt  }
0x48: {  	_ =	shalt  }
0x49: {  	_ =	shalt  }
0x4a: {  	_ =	shalt  }
0x4b: {  	_ =	shalt  }
0x4c: {  	_ =	shalt  }
0x4d: {  	_ =	shalt  }
0x4e: {  	_ =	shalt  }
0x4f: {  	_ =	shalt  }
0x50: {  	_ =	shalt  }
0x51: {  	_ =	shalt  }
0x52: {  	_ =	shalt  }
0x53: {  	_ =	shalt  }
0x54: {  	_ =	shalt  }
0x55: {  	_ =	shalt  }
0x56: {  	_ =	shalt  }
0x57: {  	_ =	shalt  }
0x58: {  	_ =	shalt  }
0x59: {  	_ =	shalt  }
0x5a: {  	_ =	shalt  }
0x5b: {  	_ =	shalt  }
0x5c: {  	_ =	shalt  }
0x5d: {  	_ =	shalt  }
0x5e: {  	_ =	shalt  }
0x5f: {  	_ =	shalt  }
0x60: {  	_ =	shalt  }
0x61: {  	_ =	shalt  }
0x62: {  	_ =	shalt  }
0x63: {  	_ =	shalt  }
0x64: {  	_ =	shalt  }
0x65: {  	_ =	shalt  }
0x66: {  	_ =	shalt  }
0x67: {  	_ =	shalt  }
0x68: {  	_ =	shalt  }
0x69: {  	_ =	shalt  }
0x6a: {  	_ =	shalt  }
0x6b: {  	_ =	shalt  }
0x6c: {  	_ =	shalt  }
0x6d: {  	_ =	shalt  }
0x6e: {  	_ =	shalt  }
0x6f: {  	_ =	shalt  }
0x70: {  	_ =	shalt  }
0x71: {  	_ =	shalt  }
0x72: {  	_ =	shalt  }
0x73: {  	_ =	shalt  }
0x74: {  	_ =	shalt  }
0x75: {  	_ =	shalt  }
0x76: {  	_ =	shalt  }
0x77: {  	_ =	shalt  }
0x78: {  	_ =	shalt  }
0x79: {  	_ =	shalt  }
0x7a: {  	_ =	shalt  }
0x7b: {  	_ =	shalt  }
0x7c: {  	_ =	shalt  }
0x7d: {  	_ =	shalt  }
0x7e: {  	_ =	shalt  }
0x7f: {  	_ =	shalt  }
0x80: {  	_ =	shalt  }
0x81: {  	_ =	shalt  }
0x82: {  	_ =	shalt  }
0x83: {  	_ =	shalt  }
0x84: {  	_ =	shalt  }
0x85: {  	_ =	shalt  }
0x86: {  	_ =	shalt  }
0x87: {  	_ =	shalt  }
.Lfunc_end0:
.L_simem_size_0:
called_computation_lowered:
.L_overlay_start_0:
0x88: {  	s2 =	sld [smem:$0x3FD9]  }
0x89: {  	s3 =	sld [smem:$0x3FFE];
	_ =	sdelay $0x1  }
0x8a: {  	s1 =	srdreg.scid  }
0x8b: {  	s0 =	sand.u32 $0x1, s1  }
0x8c: {  	s17 =	sshll.u32 s0, $0xA;
	s2 =	sadd.s32 s3, s2  }
0x8d: {  	s2 =	sadd.s32 s2, s17  }
0x8e: {  	[smem:$0x3FBF] =	sst s2  }
0x8f: {  	_ = 	snop  }
0x90: {  	s2 =	sld [smem:$0x3FC9]  }
0x91: {  	s18 =	sld [smem:$0x3FD0];
	(tm) =	ssettm $0x1  }
0x92: {  	s4 =	sld [smem:$0x3FFB];
	_ =	sdelay $0x3  }
0x93: {  	_ =	strace s4  }
0x94: {  	s4 =	sld [smem:$0x3FFC];
	_ =	sdelay $0x3  }
0x95: {  	_ =	strace s4  }
0x96: {  	s4 =	sld [smem:$0x3FFD];
	_ =	sdelay $0x3  }
0x97: {  	_ =	strace s4  }
0x98: {  	_ =	strace $0x8FFFFFFF  }
0x99: {  	s19 =	sld [smem:$0x3FDB];
	_ =	sdelay $0x1  }
0x9a: {  	s5 =	simm.s32 $_scs_section_size  }
0x9b: {  	s6 =	simm.s32 $_size__tile_overlayer_lowered;
	s7 =	simm.s32 $_tile_overlayer_lowered  }
0x9c: {  	s22 =	simm.s32 $0x1BFF;
	s21 =	sshll.u32 s7, $0x1;
	s4 =	sadd.s32 s5, s19  }
0x9d: {  	s8 =	simm.s32 $0x0;
	s20 =	sshll.u32 s6, $0x1;
	s6 =	sadd.s32 s21, s4  }
0x9e: {  	[timem:s8], [sflag:s22] =	dma.local [hbm:s6], s20  }
0x9f: {  	_ =	swait.ge [sflag:s22], s20  }
0xa0: {  	s5 =	ssub.s32 $0x0, s20;
	[sflag:s22] =	ssyncset.done $0x0  }
0xa1: {  	[sflag:s22] =	ssyncadd.s32 s5;
	_ =	sdelay $0x1  }
0xa2: {  	s23 =	simm.s32 $0x1B8B  }
0xa3: {  	_ =	swait.ge [sflag:s23], $0x1  }
0xa4: {  	[sflag:s23] =	ssyncset.done $0x0  }
0xa5: {  	s25 =	simm.s32 $0x1B8E;
	s24 =	sld [smem:$0x3FFE];
	[sflag:s23] =	ssyncadd.s32 $0xFFFFFFFF  }
0xa6: {  	s26 =	simm.s32 $execute0_lowered;
	[smem:$0x3FD2] =	sst s25  }
0xa7: {  	s6 =	sshll.u32 s26, $0x1;
	_ =	strace $0x80000046;
	[dreg:$0x1] =	wrdreg $0xFFFFFFFF  }
0xa8: {  	s28 =	simm.s32 $_size_execute0_lowered;
	s4 =	sadd.s32 s4, s6;
	[dreg:$0x0] =	wrdreg $0x0  }
0xa9: {  	s6 =	sshll.u32 s28, $0x1;
	[dreg:$0x2] =	wrdreg s4  }
0xaa: {  	[dreg:$0x3] =	wrdreg s6  }
0xab: {  	[dreg:$0x4] =	wrdreg $0xC0  }
0xac: {  	_ =	task [dreg:s8], $0x5FFFF  }
0xad: {  	[dreg:$0x1] =	wrdreg $0xFFFFFFFF  }
0xae: {  	[dreg:$0x0] =	wrdreg $0x60  }
0xaf: {  	[dreg:$0x2] =	wrdreg s2  }
0xb0: {  	[dreg:$0x3] =	wrdreg s18  }
0xb1: {  	[dreg:$0x4] =	wrdreg s24  }
0xb2: {  	[dreg:$0x5] =	wrdreg $0x71800  }
0xb3: {  	[dreg:$0x6] =	wrdreg $0x1B1800  }
0xb4: {  	[dreg:$0x7] =	wrdreg $0x9  }
0xb5: {  	_ =	task.clear_ibuf [dreg:s8], $0x8FFFF;
	_ =	strace $0x90000046  }
0xb6: {  	s29 =	simm.s32 $0x9;
	_ =	strace $0x80000048  }
0xb7: {  	_ =	swait.ge [sflag:s29], $0x1  }
0xb8: {  	[sflag:s29] =	ssyncadd.s32 $0xFFFFFFFF  }
0xb9: {  	_ =	strace $0x90000048  }
0xba: {  	_ =	sfence  }
0xbb: {  	s30 =	sld [smem:$0x0];
	_ =	sdelay $0x2  }
0xbc: {  	s31 =	sshll.u32 s1, $0xD;
	s1 =	sshrl.u32 s1, $0x2  }
0xbd: {  	s3 =	sand.u32 $0x4000, s31;
	s1 =	sadd.s32 s1, s30  }
0xbe: {  	s0 =	sor.u32 s3, s0;
	s1 =	sshll.u32 s1, $0x11  }
0xbf: {  	s0 =	sor.u32 s1, s0  }
0xc0: {  	s0 =	sadd.s32 $0x8F2B, s0  }
0xc1: {  	[sflag:s0] =	ssyncadd.remote.s32 $0x1  }
0xc2: {  	_ =	sfence.sel $0xFFFF  }
0xc3: {  	[dreg:$0x0] =	wrdreg $0xFFFFFFFF;
	(pc) =	sbr.abs _section_cstart, $3  }
0xc4: {  	[dreg:$0x1] =	wrdreg $0xFFFFFFFF  }
0xc5: {  	_ =	task.clear_ibuf [dreg:s8], $0x2FFFF;
	_ =	strace $0x9FFFFFFF  }
0xc6: {  	(tm) =	ssettm $0x7FFFFFFF  }
0xc7: {  	_ =	shalt  }
tec
execute0_lowered:
.L_overlay_start_1:
0x0: {  	(tag) =	ssettag $0x1  }
0x1: {  	s0 =	rddreg [dreg:$0x0]  }
0x2: {  	s11 =	rddreg [dreg:$0x1]  }
0x3: {  	s9 =	rddreg [dreg:$0x2]  }
0x4: {  	s3 =	rddreg [dreg:$0x3];
	s2 =	srdreg.scid  }
0x5: {  	s1 =	stileid.u32;
	s4 =	rddreg [dreg:$0x4];
	s5 =	simm.s32 $0x0  }
0x6: {  	s21 =	simm.s32 $0x3180;
	s22 =	simm.s32 $0x3100;
	s12 =	smul.u32 $0x13C00, s1  }
0x7: {  	s23 =	simm.s32 $0x5180;
	s28 =	simm.s32 $0x3140;
	s13 =	smul.u32 $0x2780, s1  }
0x8: {  	s29 =	simm.s32 $0x0;
	s10 =	sand.u32 $0x1, s2;
	s16 =	smul.u32 $0x78, s1  }
0x9: {  	[smem:$0x7FF] =	sst s5;
	s6 =	sadd.s32 $0x1600, s9;
	s17 =	smul.u32 $0xC2, s1  }
0xa: {  	s7 =	sadd.s32 $0x1400, s9;
	s26 =	sshll.u32 s1, $0x6;
	s8 =	smul.u32 $0x13C000, s10  }
0xb: {  	_ =	strace $0x80000047;
	s14 =	smul.u32 $0x27800, s10;
	s24 =	ssub.s32 $0x2, s10  }
0xc: {  	p0 =	seq.s32 s10, $0x0;
	s18 =	sshrl.u32 s24, $0x1;
	s10 =	sadd.s32 $0xC20, s16  }
0xd: {  	s19 =	sadd.s32 s12, s3;
	s31 =	sadd.s32 s13, s4;
	s16 =	simm.s32 $0x3  }
0xe: {  	s15 =	sadd.s32 s12, s8;
	s8 =	sadd.s32 $0x3E00, s9;
	s14 =	sadd.s32 s13, s14  }
0xf: {  	s25 =	ssub.s32 s24, s18;
	s10 =	smov.u32 @p0 s17;
	s17 =	simm.s32 $0x1AD80  }
0x10: {  	s18 =	sshrl.u32 s31, $0x3;
	s24 =	simm.s32 $0x1;
	s15 =	sshrl.u32 s15, $0x3  }
0x11: {  	s14 =	sshrl.u32 s14, $0x3;
	s30 =	sshll.u32 s10, $0x3;
	s10 =	sor.u32 $0x1C03, s26  }
0x12: {  	s15 =	sadd.s32 s15, s9;
	s14 =	sadd.s32 s14, s9;
	s9 =	simm.s32 $0xC2  }
0x13: {  	s26 =	simm.s32 $0x2;
	s11 =	sadd.s32 s11, s30;
	s9 =	simm.s32 @!p0 $0x78  }
0x14: {  	s12 =	sadd.s32 $0xE200, s15;
	s13 =	sadd.s32 $0x4400, s14;
	s14 =	smax.u32 s25, $0x1  }
0x15: {  	s15 =	sshrl.u32 s19, $0x3;
	s19 =	simm.s32 $0x40;
	s25 =	simm.s32 $0x30C0  }
.LBB2_1:
0x16: {  	[spmem:s15], [sflag:s10] =	dma.local [hbm:s6], $0x2780  }
0x17: {  	_ =	swait.ge [sflag:s16], $0x2780  }
0x18: {  	[sflag:s16] =	ssyncset.done $0x0  }
0x19: {  	[sflag:s16] =	ssyncadd.s32 $0xFFFFD880  }
0x1a: {  	[tilespmem:s5], [sflag:$0x3] =	stream.linear.gather [hbm4b:s11+s5], $0x3080, $0x38;
	[tilespmem:$0x1D900] =	vst v63  }
0x1b: {  	_ =	swait.ge [sflag:s16], $0x3080  }
0x1c: {  	[sflag:s16] =	ssyncset.done $0x0  }
0x1d: {  	[sflag:s16] =	ssyncadd.s32 $0xFFFFCF80  }
0x1e: {  	[tilespmem:s17], [sflag:$0x3] =	stream.linear.gather [hbm4b:s7+s5], $0x400, $0x38;
	[tilespmem:$0x1D900] =	vst v63  }
0x1f: {  	_ =	swait.ge [sflag:s16], $0x400  }
0x20: {  	[sflag:s16] =	ssyncset.done $0x0  }
0x21: {  	[sflag:s16] =	ssyncadd.s32 $0xFFFFFC00  }
0x22: {  	[spmem:s18], [sflag:s10] =	dma.local [hbm:s8], $0x4F0  }
0x23: {  	_ =	swait.ge [sflag:s16], $0x4F0  }
0x24: {  	[sflag:s16] =	ssyncset.done $0x0  }
0x25: {  	[sflag:s16] =	ssyncadd.s32 $0xFFFFFB10  }
0x26: {  	[bflag:$0x0] =	sbarrier.arrive $0xFFFF  }
0x27: {  	v0 =	vld [tilespmem:$0x0];
	_ =	sdelay $0x1  }
0x28: {  	v1 =	vld [tilespmem:$0x10];
	_ =	sdelay $0x1  }
0x29: {  	v2 =	vld [tilespmem:$0x20]  }
0x2a: {  	v3 =	vand.u32 $0x3FFF, v0  }
0x2b: {  	v53 =	vld [tilespmem:$0x30];
	v0 =	vshrl.u32 v0, $0xE;
	[tilespmem:$0x3080] =	vst v3  }
0x2c: {  	v54 =	vand.u32 $0x3FFF, v1;
	[tilespmem:$0x30C0] =	vst v0  }
0x2d: {  	v55 =	vshrl.u32 v1, $0xE;
	[tilespmem:$0x3090] =	vst v54  }
0x2e: {  	v56 =	vand.u32 $0x3FFF, v2;
	[tilespmem:$0x30D0] =	vst v55  }
0x2f: {  	v57 =	vshrl.u32 v2, $0xE;
	[tilespmem:$0x30A0] =	vst v56  }
0x30: {  	v58 =	vand.u32 $0x3FFF, v53;
	[tilespmem:$0x30E0] =	vst v57  }
0x31: {  	v59 =	vshrl.u32 v53, $0xE;
	[tilespmem:$0x30B0] =	vst v58  }
0x32: {  	s1 =	simm.s32 $0x3080;
	s30 =	simm.s32 $0x60;
	[tilespmem:$0x30F0] =	vst v59  }
0x33: {  	[tilespmem:s21], [sflag:$0x1] =	stream.indirect.gather [hbm4b:s0+s19], $0x80, s1, s19, $0xb8;
	[tilespmem:$0x1D900] =	vst v63  }
0x34: {  	v0 =	vld [tilespmem:s30+$0xFFFFFFE0];
	_ =	sdelay $0x4  }
0x35: {  	v60 =	vand.u32 $0x3FFF, v0  }
0x36: {  	v0 =	vshrl.u32 v0, $0xE;
	[tilespmem:$0x3100] =	vst v60  }
0x37: {  	[tilespmem:$0x3140] =	vst v0  }
0x38: {  	v0 =	vld [tilespmem:s30+$0xFFFFFFF0];
	_ =	sdelay $0x4  }
0x39: {  	v61 =	vand.u32 $0x3FFF, v0  }
0x3a: {  	v0 =	vshrl.u32 v0, $0xE;
	[tilespmem:$0x3110] =	vst v61  }
0x3b: {  	[tilespmem:$0x3150] =	vst v0  }
0x3c: {  	v0 =	vld [tilespmem:s30+$0x0];
	_ =	sdelay $0x4  }
0x3d: {  	v62 =	vand.u32 $0x3FFF, v0  }
0x3e: {  	v0 =	vshrl.u32 v0, $0xE;
	[tilespmem:$0x3120] =	vst v62  }
0x3f: {  	[tilespmem:$0x3160] =	vst v0  }
0x40: {  	v0 =	vld [tilespmem:s30+$0x10];
	_ =	sdelay $0x4  }
0x41: {  	v63 =	vand.u32 $0x3FFF, v0  }
0x42: {  	v0 =	vshrl.u32 v0, $0xE;
	[tilespmem:$0x3130] =	vst v63  }
0x43: {  	[tilespmem:$0x3170] =	vst v0  }
0x44: {  	[tilespmem:s23], [sflag:$0x2] =	stream.indirect.gather [hbm4b:s0+s19], $0x80, s22, s19, $0xb8;
	[tilespmem:$0x1D900] =	vst v63  }
0x45: {  	_ =	swait.ge [sflag:s24], $0x2000  }
0x46: {  	[sflag:s24] =	ssyncset.done $0x0  }
0x47: {  	[sflag:s24] =	ssyncadd.s32 $0xFFFFE000  }
0x48: {  	[spmem:s3] =	stream.indirect.scatter.add.f32 [tilespmem:s21], [sflag:$0x3], $0x80, s25, s19, $0xb8;
	[tilespmem:$0x1D900] =	vst v63  }
0x49: {  	_ =	swait.ge [sflag:s16], $0x2000  }
0x4a: {  	[sflag:s16] =	ssyncset.done $0x0  }
0x4b: {  	[sflag:s16] =	ssyncadd.s32 $0xFFFFE000  }
0x4c: {  	[spmem:s4] =	stream.indirect.scatter.add.f32 [tilespmem:s17], [sflag:$0x3], $0x10, s25, s19, $0xb8;
	[tilespmem:$0x1D900] =	vst v63  }
0x4d: {  	_ =	swait.ge [sflag:s16], $0x400  }
0x4e: {  	[sflag:s16] =	ssyncset.done $0x0  }
0x4f: {  	p0 =	sle.u32 s9, $0x2;
	[sflag:s16] =	ssyncadd.s32 $0xFFFFFC00  }
0x50: {  	v0 =	vld @!p0 [tilespmem:s30+$0x20];
	_ =	sdelay $0x4  }
0x51: {  	v1 =	vand.u32 @!p0 $0x3FFF, v0  }
0x52: {  	v0 =	vshrl.u32 @!p0 v0, $0xE;
	[tilespmem:$0x3080] =	vst @!p0 v1  }
0x53: {  	[tilespmem:$0x30C0] =	vst @!p0 v0  }
0x54: {  	v0 =	vld @!p0 [tilespmem:s30+$0x30];
	_ =	sdelay $0x4  }
0x55: {  	v1 =	vand.u32 @!p0 $0x3FFF, v0  }
0x56: {  	v0 =	vshrl.u32 @!p0 v0, $0xE;
	[tilespmem:$0x3090] =	vst @!p0 v1  }
0x57: {  	[tilespmem:$0x30D0] =	vst @!p0 v0  }
0x58: {  	v0 =	vld @!p0 [tilespmem:s30+$0x40];
	_ =	sdelay $0x4  }
0x59: {  	v1 =	vand.u32 @!p0 $0x3FFF, v0  }
0x5a: {  	v0 =	vshrl.u32 @!p0 v0, $0xE;
	[tilespmem:$0x30A0] =	vst @!p0 v1  }
0x5b: {  	[tilespmem:$0x30E0] =	vst @!p0 v0  }
0x5c: {  	v0 =	vld @!p0 [tilespmem:s30+$0x50];
	_ =	sdelay $0x4  }
0x5d: {  	v1 =	vand.u32 @!p0 $0x3FFF, v0  }
0x5e: {  	v0 =	vshrl.u32 @!p0 v0, $0xE;
	[tilespmem:$0x30B0] =	vst @!p0 v1  }
0x5f: {  	s31 =	simm.s32 @!p0 $0x40;
	s2 =	simm.s32 @!p0 $0x3080;
	s1 =	simm.s32 @!p0 $0x3180;
	[tilespmem:$0x30F0] =	vst @!p0 v0  }
0x60: {  	[tilespmem:s1], [sflag:$0x1] =	stream.indirect.gather @!p0 [hbm4b:s0+s31], $0x80, s2, s31, $0xb8;
	[tilespmem:$0x1D900] =	vst v63  }
0x61: {  	p0 =	sne.s32 s9, $0x2  }
.Ltmp0:
0x62: {  	_ = 	snop;
	(pc) =	sbr.rel @!p0 .LBB2_3-.Ltmp0, $3  }
0x63: {  	_ =	sdelay $0x1  }
0x64: {  	_ =	swait.ge [sflag:s26], $0x2000  }
0x65: {  	s31 =	simm.s32 $0x2;
	[sflag:s26] =	ssyncset.done $0x0  }
.LBB2_2:
0x66: {  	s31 =	sadd.s32 $0x2, s31;
	[sflag:s26] =	ssyncadd.s32 $0xFFFFE000;
	s30 =	sadd.s32 $0x80, s30  }
0x67: {  	[spmem:s3] =	stream.indirect.scatter.add.f32 [tilespmem:s23], [sflag:$0x3], $0x80, s28, s19, $0xb8;
	[tilespmem:$0x1D900] =	vst v63  }
0x68: {  	p0 =	sne.s32 s9, s31;
	_ =	swait.ge [sflag:s16], $0x2000  }
0x69: {  	[sflag:s16] =	ssyncset.done $0x0  }
0x6a: {  	[sflag:s16] =	ssyncadd.s32 $0xFFFFE000  }
0x6b: {  	[spmem:s4] =	stream.indirect.scatter.add.f32 [tilespmem:s17], [sflag:$0x3], $0x10, s28, s19, $0xb8;
	[tilespmem:$0x1D900] =	vst v63  }
0x6c: {  	_ =	swait.ge [sflag:s16], $0x400  }
0x6d: {  	[sflag:s16] =	ssyncset.done $0x0  }
0x6e: {  	[sflag:s16] =	ssyncadd.s32 $0xFFFFFC00  }
0x6f: {  	v0 =	vld [tilespmem:s30+$0xFFFFFFE0];
	_ =	sdelay $0x4  }
0x70: {  	v1 =	vand.u32 $0x3FFF, v0;
	v0 =	vshrl.u32 v0, $0xE  }
0x71: {  	[tilespmem:$0x3100] =	vst v1  }
0x72: {  	[tilespmem:$0x3140] =	vst v0  }
0x73: {  	v0 =	vld [tilespmem:s30+$0xFFFFFFF0];
	_ =	sdelay $0x4  }
0x74: {  	v1 =	vand.u32 $0x3FFF, v0;
	v0 =	vshrl.u32 v0, $0xE  }
0x75: {  	[tilespmem:$0x3110] =	vst v1  }
0x76: {  	[tilespmem:$0x3150] =	vst v0  }
0x77: {  	v0 =	vld [tilespmem:s30+$0x0];
	_ =	sdelay $0x4  }
0x78: {  	v1 =	vand.u32 $0x3FFF, v0;
	v0 =	vshrl.u32 v0, $0xE  }
0x79: {  	[tilespmem:$0x3120] =	vst v1  }
0x7a: {  	[tilespmem:$0x3160] =	vst v0  }
0x7b: {  	v0 =	vld [tilespmem:s30+$0x10];
	_ =	sdelay $0x4  }
0x7c: {  	v1 =	vand.u32 $0x3FFF, v0;
	v0 =	vshrl.u32 v0, $0xE  }
0x7d: {  	[tilespmem:$0x3130] =	vst v1  }
0x7e: {  	[tilespmem:$0x3170] =	vst v0  }
0x7f: {  	[tilespmem:s23], [sflag:$0x2] =	stream.indirect.gather [hbm4b:s0+s19], $0x80, s22, s19, $0xb8;
	[tilespmem:$0x1D900] =	vst v63  }
0x80: {  	_ =	swait.ge [sflag:s24], $0x2000  }
0x81: {  	[sflag:s24] =	ssyncset.done $0x0  }
0x82: {  	[sflag:s24] =	ssyncadd.s32 $0xFFFFE000  }
0x83: {  	[spmem:s3] =	stream.indirect.scatter.add.f32 [tilespmem:s21], [sflag:$0x3], $0x80, s25, s19, $0xb8;
	[tilespmem:$0x1D900] =	vst v63  }
0x84: {  	_ =	swait.ge [sflag:s16], $0x2000  }
0x85: {  	[sflag:s16] =	ssyncset.done $0x0  }
0x86: {  	[sflag:s16] =	ssyncadd.s32 $0xFFFFE000  }
0x87: {  	[spmem:s4] =	stream.indirect.scatter.add.f32 [tilespmem:s17], [sflag:$0x3], $0x10, s25, s19, $0xb8;
	[tilespmem:$0x1D900] =	vst v63  }
0x88: {  	_ =	swait.ge [sflag:s16], $0x400  }
0x89: {  	[sflag:s16] =	ssyncset.done $0x0  }
0x8a: {  	p1 =	sge.u32 s31, s9;
	[sflag:s16] =	ssyncadd.s32 $0xFFFFFC00  }
0x8b: {  	v0 =	vld @!p1 [tilespmem:s30+$0x20];
	_ =	sdelay $0x4  }
0x8c: {  	v1 =	vand.u32 @!p1 $0x3FFF, v0;
	v0 =	vshrl.u32 @!p1 v0, $0xE  }
0x8d: {  	[tilespmem:$0x3080] =	vst @!p1 v1  }
0x8e: {  	[tilespmem:$0x30C0] =	vst @!p1 v0  }
0x8f: {  	v0 =	vld @!p1 [tilespmem:s30+$0x30];
	_ =	sdelay $0x4  }
0x90: {  	v1 =	vand.u32 @!p1 $0x3FFF, v0;
	v0 =	vshrl.u32 @!p1 v0, $0xE  }
0x91: {  	[tilespmem:$0x3090] =	vst @!p1 v1  }
0x92: {  	[tilespmem:$0x30D0] =	vst @!p1 v0  }
0x93: {  	v0 =	vld @!p1 [tilespmem:s30+$0x40];
	_ =	sdelay $0x4  }
0x94: {  	v1 =	vand.u32 @!p1 $0x3FFF, v0;
	v0 =	vshrl.u32 @!p1 v0, $0xE  }
0x95: {  	[tilespmem:$0x30A0] =	vst @!p1 v1  }
0x96: {  	s1 =	simm.s32 @!p1 $0x40;
	s2 =	simm.s32 @!p1 $0x3080;
	s20 =	simm.s32 @!p1 $0x3180;
	[tilespmem:$0x30E0] =	vst @!p1 v0  }
0x97: {  	v0 =	vld @!p1 [tilespmem:s30+$0x50];
	_ =	sdelay $0x4  }
0x98: {  	v1 =	vand.u32 @!p1 $0x3FFF, v0;
	v0 =	vshrl.u32 @!p1 v0, $0xE  }
.Ltmp1:
0x99: {  	[tilespmem:$0x30B0] =	vst @!p1 v1;
	(pc) =	sbr.rel @p0 .LBB2_2-.Ltmp1, $4  }
0x9a: {  	[tilespmem:$0x30F0] =	vst @!p1 v0  }
0x9b: {  	[tilespmem:s20], [sflag:$0x1] =	stream.indirect.gather @!p1 [hbm4b:s0+s1], $0x80, s2, s1, $0xb8;
	[tilespmem:$0x1D900] =	vst v63  }
0x9c: {  	_ =	swait.ge [sflag:s26], $0x2000  }
0x9d: {  	[sflag:s26] =	ssyncset.done $0x0  }
.LBB2_3:
0x9e: {  	[sflag:s26] =	ssyncadd.s32 $0xFFFFE000  }
0x9f: {  	[spmem:s3] =	stream.indirect.scatter.add.f32 [tilespmem:s23], [sflag:$0x3], $0x80, s28, s19, $0xb8;
	[tilespmem:$0x1D900] =	vst v63  }
0xa0: {  	_ =	swait.ge [sflag:s16], $0x2000  }
0xa1: {  	[sflag:s16] =	ssyncset.done $0x0  }
0xa2: {  	[sflag:s16] =	ssyncadd.s32 $0xFFFFE000  }
0xa3: {  	[spmem:s4] =	stream.indirect.scatter.add.f32 [tilespmem:s17], [sflag:$0x3], $0x10, s28, s19, $0xb8;
	[tilespmem:$0x1D900] =	vst v63  }
0xa4: {  	_ =	swait.ge [sflag:s16], $0x400  }
0xa5: {  	[sflag:s16] =	ssyncset.done $0x0  }
0xa6: {  	[sflag:s16] =	ssyncadd.s32 $0xFFFFFC00  }
0xa7: {  	[bflag:$0x0] =	sbarrier.arrive $0xFFFF  }
0xa8: {  	[hbm:s12], [sflag:s10] =	dma.local [spmem:s15], $0x2780  }
0xa9: {  	s29 =	sadd.s32 $0x1, s29;
	_ =	swait.ge [sflag:s16], $0x2780  }
0xaa: {  	p0 =	sne.s32 s29, s14;
	[sflag:s16] =	ssyncset.done $0x0  }
.Ltmp2:
0xab: {  	[sflag:s16] =	ssyncadd.s32 $0xFFFFD880;
	(pc) =	sbr.rel @p0 .LBB2_1-.Ltmp2, $4  }
0xac: {  	[hbm:s13], [sflag:s10] =	dma.local [spmem:s18], $0x4F0  }
0xad: {  	_ =	swait.ge [sflag:s16], $0x4F0  }
0xae: {  	[sflag:s16] =	ssyncset.done $0x0  }
0xaf: {  	[sflag:s16] =	ssyncadd.s32 $0xFFFFFB10  }
0xb0: {  	_ =	sfence.sel $0x180000  }
0xb1: {  	[bflag:$0x0] =	sbarrier.arrive $0xFFFF  }
0xb2: {  	_ =	strace $0x90000047  }
0xb3: {  	s0 =	stileid.u32;
	[bflag:$0x2] =	sbarrier.arrive $0xFFFF  }
0xb4: {  	p0 =	sne.s32 s0, $0x0;
	s0 =	rddreg [dreg:$0x5]  }
0xb5: {  	s0 =	sadd.s32 @!p0 $0x100000, s0  }
0xb6: {  	[sflag:s0] =	ssyncadd.tile.s32 @!p0 $0x1;
	_ =	shalt  }
.Lfunc_end2:
_tile_overlayer_lowered:
.L_overlay_start_2:
0xb7: {  	(tag) =	ssettag $0x2  }
0xb8: {  	s0 =	rddreg [dreg:$0x0];
	s2 =	stileid.u32  }
0xb9: {  	s1 =	rddreg [dreg:$0x1];
	p0 =	sne.s32 s2, $0x0  }
0xba: {  	s3 =	rddreg [dreg:$0x2];
	[bflag:$0x3] =	sbarrier.arrive $0xFFFF;
	s2 =	simm.s32 @!p0 $0x1C03  }
0xbb: {  	[timem:s3], [sflag:s2] =	dma.local @!p0 [hbm:s0], s1  }
0xbc: {  	s0 =	simm.s32 @!p0 $0x3  }
0xbd: {  	_ =	swait.ge @!p0 [sflag:s0], s1  }
0xbe: {  	s1 =	ssub.s32 @!p0 $0x0, s1;
	[sflag:s0] =	ssyncset.done @!p0 $0x0  }
0xbf: {  	[sflag:s0] =	ssyncadd.s32 @!p0 s1  }
0xc0: {  	[bflag:$0x3] =	sbarrier.arrive $0xFFFF  }
0xc1: {  	_ =	shalt  }

// kernel: kernel.9.cloned.1.call-start
scs
__scs_entry_jumppad:
0x0: {  	(pc) =	sbr.rel $0x88, $3  }
0x1: {  	(tag) =	ssettag $0x0;
	lr =	simm.s32 $0x1  }
0x2: {  	[smem:$0x3F98] =	sst lr;
	_ =	strace $0xD0000000  }
0x3: {  	_ = 	snop  }
0x4: {  	_ = 	snop  }
0x5: {  	_ = 	snop  }
0x6: {  	_ = 	snop  }
0x7: {  	_ = 	snop  }
__scs_overlays_trampoline_lowered:
0x8: {  	[smem:$0x3FA7] =	sst s0  }
0x9: {  	[smem:$0x3FA8] =	sst s1  }
0xa: {  	[smem:$0x3FA9] =	sst s2  }
0xb: {  	[smem:$0x3FAA] =	sst s3  }
0xc: {  	[smem:$0x3FAB] =	sst s4  }
0xd: {  	[smem:$0x3FAC] =	sst s5  }
0xe: {  	[smem:$0x3FAD] =	sst s6  }
0xf: {  	[smem:$0x3FAE] =	sst s7  }
0x10: {  	[smem:$0x3FAF] =	sst s8  }
0x11: {  	[smem:$0x3FB0] =	sst s9;
	s0 =	simm.s32 @!p0 $0x0  }
0x12: {  	s1 =	sld [smem:$0x3F96];
	s0 =	simm.s32 @p0 $0x1  }
0x13: {  	[smem:$0x3FB1] =	sst s0;
	s0 =	simm.s32 @!p1 $0x0  }
0x14: {  	s2 =	sld [smem:$0x3F95];
	s0 =	simm.s32 @p1 $0x1  }
0x15: {  	[smem:$0x3FB2] =	sst s0;
	s0 =	simm.s32 @!p2 $0x0  }
0x16: {  	s3 =	sld [smem:$0x3FDB];
	s0 =	simm.s32 @p2 $0x1  }
0x17: {  	s4 =	simm.s32 $0x1BF5;
	[smem:$0x3FB4] =	sst s0  }
0x18: {  	s0 =	sld [smem:$0x3F97];
	_ =	swait.ge [sflag:s4], $0x0  }
0x19: {  	s7 =	sld [smem:$0x3F98]  }
0x1a: {  	s8 =	sadd.s32 $0xFFFFE003, lr  }
0x1b: {  	s9 =	sadd.s32 $0xFFFFFEF7, lr;
	s5 =	simm.s32 $0xFFFFFFFF;
	p2 =	slt.u32 s8, $0xFFFFF086  }
0x1c: {  	p1 =	slt.u32 s9, $0xF7A;
	s5 =	simm.s32 @!p2 $0x0  }
0x1d: {  	s5 =	simm.s32 @p1 $0x1;
	p0 =	seq.s32 s7, s2  }
0x1e: {  	s7 =	smul.u32 @!p0 $0xF7A, s2;
	p2 =	seq.s32 @!p0 s5, $0x0  }
0x1f: {  	s9 =	smul.u32 $0xF7A, s1;
	s8 =	simm.s32 @!p0 $0x1BF5;
	p2 =	por !p2, p0  }
0x20: {  	[sflag:s8] =	ssyncset.s32 @!p0 $0xFFFFF086;
	s6 =	sadd.s32 @!p0 s3, s7;
	s7 =	simm.s32 @!p0 $0x108  }
0x21: {  	s3 =	sadd.s32 s3, s9;
	s6 =	sadd.s32 @!p0 $0x88, s6;
	s7 =	simm.s32 @p2 $0x1082  }
0x22: {  	[simem:s7], [sflag:s8] =	dma.local @!p0 [hbm:s6], $0xF7A  }
0x23: {  	s9 =	sor.u32 $0xD0000000, s2;
	s6 =	simm.s32 $0x108;
	_ =	swait.ge @!p0 [sflag:s8], $0x0  }
0x24: {  	s3 =	sadd.s32 $0x88, s3;
	s6 =	simm.s32 @!p1 $0x1082;
	[sflag:s4] =	ssyncset.s32 $0xFFFFF086  }
0x25: {  	[simem:s6], [sflag:s4] =	dma.local [hbm:s3], $0xF7A  }
0x26: {  	[smem:$0x3F98] =	sst s1;
	(tag) =	ssettag s2;
	_ =	strace s9  }
0x27: {  	s1 =	sld [smem:$0x3FA8]  }
0x28: {  	s2 =	sld [smem:$0x3FA9]  }
0x29: {  	s4 =	sld [smem:$0x3FAB]  }
0x2a: {  	p0 =	seq.s32 s5, $0x0;
	s5 =	sld [smem:$0x3FAC]  }
0x2b: {  	s6 =	sld [smem:$0x3FAD]  }
0x2c: {  	s7 =	sld [smem:$0x3FAE]  }
0x2d: {  	s3 =	simm.s32 $0x108;
	s8 =	sld [smem:$0x3FAF]  }
0x2e: {  	s3 =	simm.s32 @!p0 $0x1082;
	s9 =	sld [smem:$0x3FB0]  }
0x2f: {  	lr =	sadd.s32 s0, s3;
	s0 =	sld [smem:$0x3FA7]  }
0x30: {  	s3 =	sld [smem:$0x3FAA]  }
0x31: {  	[smem:$0x3FB3] =	sst s10  }
0x32: {  	s10 =	sld [smem:$0x3FB1];
	_ =	sdelay $0x3  }
0x33: {  	p0 =	seq.s32 s10, $0x1;
	s10 =	sld [smem:$0x3FB3];
	_ =	sdelay $0x3  }
0x34: {  	[smem:$0x3FB3] =	sst s10  }
0x35: {  	s10 =	sld [smem:$0x3FB2];
	_ =	sdelay $0x3  }
0x36: {  	p1 =	seq.s32 s10, $0x1;
	s10 =	sld [smem:$0x3FB3];
	_ =	sdelay $0x3  }
0x37: {  	[smem:$0x3FB3] =	sst s10  }
0x38: {  	s10 =	sld [smem:$0x3FB4]  }
0x39: {  	_ = 	snop;
	(pc) =	sbr.ind lr, $3  }
0x3a: {  	_ = 	snop  }
0x3b: {  	_ = 	snop  }
0x3c: {  	p2 =	seq.s32 s10, $0x1;
	s10 =	sld [smem:$0x3FB3]  }
0x3d: {  	_ =	shalt  }
0x3e: {  	_ =	shalt  }
0x3f: {  	_ =	shalt  }
0x40: {  	_ =	shalt  }
0x41: {  	_ =	shalt  }
0x42: {  	_ =	shalt  }
0x43: {  	_ =	shalt  }
0x44: {  	_ =	shalt  }
0x45: {  	_ =	shalt  }
0x46: {  	_ =	shalt  }
0x47: {  	_ =	shalt  }
0x48: {  	_ =	shalt  }
0x49: {  	_ =	shalt  }
0x4a: {  	_ =	shalt  }
0x4b: {  	_ =	shalt  }
0x4c: {  	_ =	shalt  }
0x4d: {  	_ =	shalt  }
0x4e: {  	_ =	shalt  }
0x4f: {  	_ =	shalt  }
0x50: {  	_ =	shalt  }
0x51: {  	_ =	shalt  }
0x52: {  	_ =	shalt  }
0x53: {  	_ =	shalt  }
0x54: {  	_ =	shalt  }
0x55: {  	_ =	shalt  }
0x56: {  	_ =	shalt  }
0x57: {  	_ =	shalt  }
0x58: {  	_ =	shalt  }
0x59: {  	_ =	shalt  }
0x5a: {  	_ =	shalt  }
0x5b: {  	_ =	shalt  }
0x5c: {  	_ =	shalt  }
0x5d: {  	_ =	shalt  }
0x5e: {  	_ =	shalt  }
0x5f: {  	_ =	shalt  }
0x60: {  	_ =	shalt  }
0x61: {  	_ =	shalt  }
0x62: {  	_ =	shalt  }
0x63: {  	_ =	shalt  }
0x64: {  	_ =	shalt  }
0x65: {  	_ =	shalt  }
0x66: {  	_ =	shalt  }
0x67: {  	_ =	shalt  }
0x68: {  	_ =	shalt  }
0x69: {  	_ =	shalt  }
0x6a: {  	_ =	shalt  }
0x6b: {  	_ =	shalt  }
0x6c: {  	_ =	shalt  }
0x6d: {  	_ =	shalt  }
0x6e: {  	_ =	shalt  }
0x6f: {  	_ =	shalt  }
0x70: {  	_ =	shalt  }
0x71: {  	_ =	shalt  }
0x72: {  	_ =	shalt  }
0x73: {  	_ =	shalt  }
0x74: {  	_ =	shalt  }
0x75: {  	_ =	shalt  }
0x76: {  	_ =	shalt  }
0x77: {  	_ =	shalt  }
0x78: {  	_ =	shalt  }
0x79: {  	_ =	shalt  }
0x7a: {  	_ =	shalt  }
0x7b: {  	_ =	shalt  }
0x7c: {  	_ =	shalt  }
0x7d: {  	_ =	shalt  }
0x7e: {  	_ =	shalt  }
0x7f: {  	_ =	shalt  }
0x80: {  	_ =	shalt  }
0x81: {  	_ =	shalt  }
0x82: {  	_ =	shalt  }
0x83: {  	_ =	shalt  }
0x84: {  	_ =	shalt  }
0x85: {  	_ =	shalt  }
0x86: {  	_ =	shalt  }
0x87: {  	_ =	shalt  }
.Lfunc_end0:
.L_simem_size_0:
called_computation.1_lowered:
.L_overlay_start_0:
0x88: {  	s2 =	sld [smem:$0x3FD9]  }
0x89: {  	s3 =	sld [smem:$0x3FFE];
	_ =	sdelay $0x1  }
0x8a: {  	s1 =	srdreg.scid  }
0x8b: {  	s0 =	sand.u32 $0x1, s1  }
0x8c: {  	s17 =	sshll.u32 s0, $0xA;
	s2 =	sadd.s32 s3, s2  }
0x8d: {  	s2 =	sadd.s32 s2, s17  }
0x8e: {  	[smem:$0x3FBF] =	sst s2  }
0x8f: {  	_ = 	snop  }
0x90: {  	s2 =	sld [smem:$0x3FD0];
	(tm) =	ssettm $0x1  }
0x91: {  	s18 =	sld [smem:$0x3FFB];
	_ =	sdelay $0x3  }
0x92: {  	_ =	strace s18  }
0x93: {  	s3 =	sld [smem:$0x3FFC];
	_ =	sdelay $0x3  }
0x94: {  	_ =	strace s3  }
0x95: {  	s3 =	sld [smem:$0x3FFD];
	_ =	sdelay $0x3  }
0x96: {  	_ =	strace s3  }
0x97: {  	_ =	strace $0x8FFFFFFF  }
0x98: {  	s19 =	sld [smem:$0x3FDB];
	_ =	sdelay $0x1  }
0x99: {  	s4 =	simm.s32 $_scs_section_size  }
0x9a: {  	s5 =	simm.s32 $_size__tile_overlayer_lowered;
	s6 =	simm.s32 $_tile_overlayer_lowered  }
0x9b: {  	s22 =	simm.s32 $0x1BFF;
	s21 =	sshll.u32 s6, $0x1;
	s3 =	sadd.s32 s4, s19  }
0x9c: {  	s7 =	simm.s32 $0x0;
	s20 =	sshll.u32 s5, $0x1;
	s5 =	sadd.s32 s21, s3  }
0x9d: {  	[timem:s7], [sflag:s22] =	dma.local [hbm:s5], s20  }
0x9e: {  	_ =	swait.ge [sflag:s22], s20  }
0x9f: {  	s4 =	ssub.s32 $0x0, s20;
	[sflag:s22] =	ssyncset.done $0x0  }
0xa0: {  	[sflag:s22] =	ssyncadd.s32 s4;
	_ =	sdelay $0x1  }
0xa1: {  	s23 =	simm.s32 $0x1B8B  }
0xa2: {  	_ =	swait.ge [sflag:s23], $0x1  }
0xa3: {  	[sflag:s23] =	ssyncset.done $0x0  }
0xa4: {  	s25 =	simm.s32 $0x1B8E;
	s24 =	sld [smem:$0x3FFE];
	[sflag:s23] =	ssyncadd.s32 $0xFFFFFFFF  }
0xa5: {  	s26 =	simm.s32 $execute0_lowered;
	[smem:$0x3FD2] =	sst s25  }
0xa6: {  	s5 =	sshll.u32 s26, $0x1;
	_ =	strace $0x80000049;
	[dreg:$0x1] =	wrdreg $0xFFFFFFFF  }
0xa7: {  	s28 =	simm.s32 $_size_execute0_lowered;
	s3 =	sadd.s32 s3, s5;
	[dreg:$0x0] =	wrdreg $0x0  }
0xa8: {  	s5 =	sshll.u32 s28, $0x1;
	[dreg:$0x2] =	wrdreg s3  }
0xa9: {  	[dreg:$0x3] =	wrdreg s5  }
0xaa: {  	[dreg:$0x4] =	wrdreg $0xC0  }
0xab: {  	_ =	task [dreg:s7], $0x5FFFF  }
0xac: {  	[dreg:$0x1] =	wrdreg $0xFFFFFFFF  }
0xad: {  	[dreg:$0x0] =	wrdreg $0x60  }
0xae: {  	[dreg:$0x2] =	wrdreg s2  }
0xaf: {  	[dreg:$0x3] =	wrdreg s24  }
0xb0: {  	[dreg:$0x4] =	wrdreg $0x45800  }
0xb1: {  	[dreg:$0x5] =	wrdreg $0x9  }
0xb2: {  	_ =	task.clear_ibuf [dreg:s7], $0x6FFFF;
	_ =	strace $0x90000049  }
0xb3: {  	s29 =	simm.s32 $0x9;
	_ =	strace $0x8000004B  }
0xb4: {  	_ =	swait.ge [sflag:s29], $0x1  }
0xb5: {  	[sflag:s29] =	ssyncadd.s32 $0xFFFFFFFF  }
0xb6: {  	_ =	strace $0x9000004B  }
0xb7: {  	_ =	sfence  }
0xb8: {  	s30 =	sld [smem:$0x0];
	_ =	sdelay $0x2  }
0xb9: {  	s31 =	sshll.u32 s1, $0xD;
	s1 =	sshrl.u32 s1, $0x2  }
0xba: {  	s3 =	sand.u32 $0x4000, s31;
	s1 =	sadd.s32 s1, s30  }
0xbb: {  	s0 =	sor.u32 s3, s0;
	s1 =	sshll.u32 s1, $0x11  }
0xbc: {  	s0 =	sor.u32 s1, s0  }
0xbd: {  	s0 =	sadd.s32 $0x8F2B, s0  }
0xbe: {  	[sflag:s0] =	ssyncadd.remote.s32 $0x1  }
0xbf: {  	_ =	sfence.sel $0xFFFF  }
0xc0: {  	[dreg:$0x0] =	wrdreg $0xFFFFFFFF;
	(pc) =	sbr.abs _section_cstart, $3  }
0xc1: {  	[dreg:$0x1] =	wrdreg $0xFFFFFFFF  }
0xc2: {  	_ =	task.clear_ibuf [dreg:s7], $0x2FFFF;
	_ =	strace $0x9FFFFFFF  }
0xc3: {  	(tm) =	ssettm $0x7FFFFFFF  }
tec
execute0_lowered:
.L_overlay_start_1:
0x0: {  	(tag) =	ssettag $0x1  }
0x1: {  	s2 =	rddreg [dreg:$0x0]  }
0x2: {  	s6 =	rddreg [dreg:$0x1]  }
0x3: {  	s3 =	rddreg [dreg:$0x2];
	s1 =	stileid.u32  }
0x4: {  	s0 =	rddreg [dreg:$0x3];
	s7 =	srdreg.scid;
	s4 =	simm.s32 $0x0  }
0x5: {  	s14 =	simm.s32 $0x2C80;
	s15 =	simm.s32 $0x2D80;
	s16 =	simm.s32 $0x2D00  }
0x6: {  	s17 =	simm.s32 $0x3980;
	s18 =	simm.s32 $0x1;
	s19 =	simm.s32 $0x2CC0  }
0x7: {  	s20 =	simm.s32 $0x2;
	s21 =	simm.s32 $0x2D40;
	s5 =	smul.u32 $0xB2, s1  }
0x8: {  	s22 =	simm.s32 $0x0;
	s8 =	smul.u32 $0x88, s1;
	s7 =	sand.u32 $0x1, s7  }
0x9: {  	s9 =	smul.u32 $0x7680, s1;
	[smem:$0x7FF] =	sst s4;
	s31 =	sshll.u32 s1, $0x6  }
0xa: {  	p0 =	seq.s32 s7, $0x0;
	s10 =	smul.u32 $0x76800, s7;
	s7 =	ssub.s32 $0x2, s7  }
0xb: {  	_ =	strace $0x8000004A;
	s8 =	sadd.s32 $0xB20, s8;
	s30 =	sshrl.u32 s7, $0x1  }
0xc: {  	s13 =	sadd.s32 s9, s3;
	s8 =	smov.u32 @p0 s5;
	s28 =	sadd.s32 s9, s10  }
0xd: {  	s12 =	ssub.s32 s7, s30;
	s7 =	sor.u32 $0x1C03, s31;
	s5 =	sshll.u32 s8, $0x3  }
0xe: {  	s8 =	sshrl.u32 s28, $0x3;
	s10 =	smax.u32 s12, $0x1;
	s29 =	sadd.s32 s5, s6  }
0xf: {  	s5 =	sadd.s32 $0x1400, s6;
	s11 =	sadd.s32 s8, s6;
	s6 =	simm.s32 $0xB2  }
0x10: {  	s12 =	simm.s32 $0x3;
	s6 =	simm.s32 @!p0 $0x88;
	s8 =	sadd.s32 $0x5D200, s29  }
0x11: {  	s9 =	sadd.s32 $0x2400, s11;
	s11 =	sshrl.u32 s13, $0x3;
	s13 =	simm.s32 $0x40  }
.LBB2_1:
0x12: {  	[spmem:s11], [sflag:s7] =	dma.local [hbm:s5], $0xED0  }
0x13: {  	_ =	swait.ge [sflag:s12], $0xED0  }
0x14: {  	[sflag:s12] =	ssyncset.done $0x0  }
0x15: {  	[sflag:s12] =	ssyncadd.s32 $0xFFFFF130  }
0x16: {  	[tilespmem:s4], [sflag:$0x3] =	stream.linear.gather [hbm4b:s8+s4], $0x2C80, $0x38;
	[tilespmem:$0xBC00] =	vst v63  }
0x17: {  	_ =	swait.ge [sflag:s12], $0x2C80  }
0x18: {  	[sflag:s12] =	ssyncset.done $0x0  }
0x19: {  	[sflag:s12] =	ssyncadd.s32 $0xFFFFD380  }
0x1a: {  	[bflag:$0x0] =	sbarrier.arrive $0xFFFF  }
0x1b: {  	v0 =	vld [tilespmem:$0x0];
	_ =	sdelay $0x1  }
0x1c: {  	v1 =	vld [tilespmem:$0x10];
	_ =	sdelay $0x1  }
0x1d: {  	v2 =	vld [tilespmem:$0x20]  }
0x1e: {  	v3 =	vand.u32 $0x3FFF, v0  }
0x1f: {  	v0 =	vshrl.u32 v0, $0xE;
	[tilespmem:$0x2C80] =	vst v3;
	v3 =	vld [tilespmem:$0x30]  }
0x20: {  	[tilespmem:$0x2CC0] =	vst v0;
	v0 =	vand.u32 $0x3FFF, v1  }
0x21: {  	[tilespmem:$0x2C90] =	vst v0;
	v0 =	vshrl.u32 v1, $0xE  }
0x22: {  	[tilespmem:$0x2CD0] =	vst v0;
	v0 =	vand.u32 $0x3FFF, v2  }
0x23: {  	[tilespmem:$0x2CA0] =	vst v0;
	v0 =	vshrl.u32 v2, $0xE  }
0x24: {  	[tilespmem:$0x2CE0] =	vst v0;
	v0 =	vand.u32 $0x3FFF, v3  }
0x25: {  	[tilespmem:$0x2CB0] =	vst v0;
	v0 =	vshrl.u32 v3, $0xE  }
0x26: {  	s23 =	simm.s32 $0x60;
	[tilespmem:$0x2CF0] =	vst v0  }
0x27: {  	[tilespmem:s15], [sflag:$0x1] =	stream.indirect.gather [hbm4b:s2+s13], $0x30, s14, s13, $0xb8;
	[tilespmem:$0xBC00] =	vst v63  }
0x28: {  	v0 =	vld [tilespmem:s23+$0xFFFFFFE0];
	_ =	sdelay $0x4  }
0x29: {  	v1 =	vand.u32 $0x3FFF, v0  }
0x2a: {  	v0 =	vshrl.u32 v0, $0xE;
	[tilespmem:$0x2D00] =	vst v1  }
0x2b: {  	[tilespmem:$0x2D40] =	vst v0  }
0x2c: {  	v0 =	vld [tilespmem:s23+$0xFFFFFFF0];
	_ =	sdelay $0x4  }
0x2d: {  	v1 =	vand.u32 $0x3FFF, v0  }
0x2e: {  	v0 =	vshrl.u32 v0, $0xE;
	[tilespmem:$0x2D10] =	vst v1  }
0x2f: {  	[tilespmem:$0x2D50] =	vst v0  }
0x30: {  	v0 =	vld [tilespmem:s23+$0x0];
	_ =	sdelay $0x4  }
0x31: {  	v1 =	vand.u32 $0x3FFF, v0  }
0x32: {  	v0 =	vshrl.u32 v0, $0xE;
	[tilespmem:$0x2D20] =	vst v1  }
0x33: {  	[tilespmem:$0x2D60] =	vst v0  }
0x34: {  	v0 =	vld [tilespmem:s23+$0x10];
	_ =	sdelay $0x4  }
0x35: {  	v1 =	vand.u32 $0x3FFF, v0  }
0x36: {  	v0 =	vshrl.u32 v0, $0xE;
	[tilespmem:$0x2D30] =	vst v1  }
0x37: {  	[tilespmem:$0x2D70] =	vst v0  }
0x38: {  	[tilespmem:s17], [sflag:$0x2] =	stream.indirect.gather [hbm4b:s2+s13], $0x30, s16, s13, $0xb8;
	[tilespmem:$0xBC00] =	vst v63  }
0x39: {  	_ =	swait.ge [sflag:s18], $0xC00  }
0x3a: {  	[sflag:s18] =	ssyncset.done $0x0  }
0x3b: {  	[sflag:s18] =	ssyncadd.s32 $0xFFFFF400  }
0x3c: {  	[spmem:s3] =	stream.indirect.scatter.add.f32 [tilespmem:s15], [sflag:$0x3], $0x30, s19, s13, $0xb8;
	[tilespmem:$0xBC00] =	vst v63  }
0x3d: {  	_ =	swait.ge [sflag:s12], $0xC00  }
0x3e: {  	[sflag:s12] =	ssyncset.done $0x0  }
0x3f: {  	p1 =	sle.u32 s6, $0x2;
	[sflag:s12] =	ssyncadd.s32 $0xFFFFF400  }
0x40: {  	v0 =	vld @!p1 [tilespmem:s23+$0x20];
	_ =	sdelay $0x4  }
0x41: {  	v1 =	vand.u32 @!p1 $0x3FFF, v0  }
0x42: {  	v0 =	vshrl.u32 @!p1 v0, $0xE;
	[tilespmem:$0x2C80] =	vst @!p1 v1  }
0x43: {  	[tilespmem:$0x2CC0] =	vst @!p1 v0  }
0x44: {  	v0 =	vld @!p1 [tilespmem:s23+$0x30];
	_ =	sdelay $0x4  }
0x45: {  	v1 =	vand.u32 @!p1 $0x3FFF, v0  }
0x46: {  	v0 =	vshrl.u32 @!p1 v0, $0xE;
	[tilespmem:$0x2C90] =	vst @!p1 v1  }
0x47: {  	[tilespmem:$0x2CD0] =	vst @!p1 v0  }
0x48: {  	v0 =	vld @!p1 [tilespmem:s23+$0x40];
	_ =	sdelay $0x4  }
0x49: {  	v1 =	vand.u32 @!p1 $0x3FFF, v0  }
0x4a: {  	v0 =	vshrl.u32 @!p1 v0, $0xE;
	[tilespmem:$0x2CA0] =	vst @!p1 v1  }
0x4b: {  	[tilespmem:$0x2CE0] =	vst @!p1 v0  }
0x4c: {  	v0 =	vld @!p1 [tilespmem:s23+$0x50]  }
0x4d: {  	p0 =	sne.s32 s6, $0x2  }
.Ltmp0:
0x4e: {  	_ = 	snop;
	(pc) =	sbr.rel @!p0 .LBB2_3-.Ltmp0, $3  }
0x4f: {  	_ =	sdelay $0x1  }
0x50: {  	s24 =	simm.s32 $0x2;
	v1 =	vand.u32 @!p1 $0x3FFF, v0  }
0x51: {  	s25 =	simm.s32 @!p1 $0x40;
	s26 =	simm.s32 @!p1 $0x2C80;
	s28 =	simm.s32 @!p1 $0x2D80;
	v0 =	vshrl.u32 @!p1 v0, $0xE;
	[tilespmem:$0x2CB0] =	vst @!p1 v1  }
.LBB2_2:
0x52: {  	s24 =	sadd.s32 $0x2, s24;
	[tilespmem:$0x2CF0] =	vst @!p1 v0;
	s23 =	sadd.s32 $0x80, s23  }
0x53: {  	[tilespmem:s28], [sflag:$0x1] =	stream.indirect.gather @!p1 [hbm4b:s2+s25], $0x30, s26, s25, $0xb8;
	[tilespmem:$0xBC00] =	vst v63  }
0x54: {  	p0 =	sne.s32 s6, s24;
	_ =	swait.ge [sflag:s20], $0xC00  }
0x55: {  	[sflag:s20] =	ssyncset.done $0x0  }
0x56: {  	[sflag:s20] =	ssyncadd.s32 $0xFFFFF400  }
0x57: {  	[spmem:s3] =	stream.indirect.scatter.add.f32 [tilespmem:s17], [sflag:$0x3], $0x30, s21, s13, $0xb8;
	[tilespmem:$0xBC00] =	vst v63  }
0x58: {  	_ =	swait.ge [sflag:s12], $0xC00  }
0x59: {  	[sflag:s12] =	ssyncset.done $0x0  }
0x5a: {  	[sflag:s12] =	ssyncadd.s32 $0xFFFFF400  }
0x5b: {  	v0 =	vld [tilespmem:s23+$0xFFFFFFE0];
	_ =	sdelay $0x4  }
0x5c: {  	v1 =	vand.u32 $0x3FFF, v0;
	v0 =	vshrl.u32 v0, $0xE  }
0x5d: {  	[tilespmem:$0x2D00] =	vst v1  }
0x5e: {  	[tilespmem:$0x2D40] =	vst v0  }
0x5f: {  	v0 =	vld [tilespmem:s23+$0xFFFFFFF0];
	_ =	sdelay $0x4  }
0x60: {  	v1 =	vand.u32 $0x3FFF, v0;
	v0 =	vshrl.u32 v0, $0xE  }
0x61: {  	[tilespmem:$0x2D10] =	vst v1  }
0x62: {  	[tilespmem:$0x2D50] =	vst v0  }
0x63: {  	v0 =	vld [tilespmem:s23+$0x0];
	_ =	sdelay $0x4  }
0x64: {  	v1 =	vand.u32 $0x3FFF, v0;
	v0 =	vshrl.u32 v0, $0xE  }
0x65: {  	[tilespmem:$0x2D20] =	vst v1  }
0x66: {  	[tilespmem:$0x2D60] =	vst v0  }
0x67: {  	v0 =	vld [tilespmem:s23+$0x10];
	_ =	sdelay $0x4  }
0x68: {  	v1 =	vand.u32 $0x3FFF, v0;
	v0 =	vshrl.u32 v0, $0xE  }
0x69: {  	[tilespmem:$0x2D30] =	vst v1  }
0x6a: {  	[tilespmem:$0x2D70] =	vst v0  }
0x6b: {  	[tilespmem:s17], [sflag:$0x2] =	stream.indirect.gather [hbm4b:s2+s13], $0x30, s16, s13, $0xb8;
	[tilespmem:$0xBC00] =	vst v63  }
0x6c: {  	_ =	swait.ge [sflag:s18], $0xC00  }
0x6d: {  	[sflag:s18] =	ssyncset.done $0x0  }
0x6e: {  	[sflag:s18] =	ssyncadd.s32 $0xFFFFF400  }
0x6f: {  	[spmem:s3] =	stream.indirect.scatter.add.f32 [tilespmem:s15], [sflag:$0x3], $0x30, s19, s13, $0xb8;
	[tilespmem:$0xBC00] =	vst v63  }
0x70: {  	_ =	swait.ge [sflag:s12], $0xC00  }
0x71: {  	[sflag:s12] =	ssyncset.done $0x0  }
0x72: {  	p1 =	sge.u32 s24, s6;
	[sflag:s12] =	ssyncadd.s32 $0xFFFFF400  }
0x73: {  	v0 =	vld @!p1 [tilespmem:s23+$0x20];
	_ =	sdelay $0x4  }
0x74: {  	v1 =	vand.u32 @!p1 $0x3FFF, v0;
	v0 =	vshrl.u32 @!p1 v0, $0xE  }
0x75: {  	[tilespmem:$0x2C80] =	vst @!p1 v1  }
0x76: {  	[tilespmem:$0x2CC0] =	vst @!p1 v0  }
0x77: {  	v0 =	vld @!p1 [tilespmem:s23+$0x30];
	_ =	sdelay $0x4  }
0x78: {  	v1 =	vand.u32 @!p1 $0x3FFF, v0;
	v0 =	vshrl.u32 @!p1 v0, $0xE  }
0x79: {  	[tilespmem:$0x2C90] =	vst @!p1 v1  }
0x7a: {  	[tilespmem:$0x2CD0] =	vst @!p1 v0  }
0x7b: {  	v0 =	vld @!p1 [tilespmem:s23+$0x40];
	_ =	sdelay $0x4  }
0x7c: {  	v1 =	vand.u32 @!p1 $0x3FFF, v0;
	v0 =	vshrl.u32 @!p1 v0, $0xE  }
0x7d: {  	[tilespmem:$0x2CA0] =	vst @!p1 v1  }
0x7e: {  	s25 =	simm.s32 @!p1 $0x40;
	s26 =	simm.s32 @!p1 $0x2C80;
	s28 =	simm.s32 @!p1 $0x2D80;
	[tilespmem:$0x2CE0] =	vst @!p1 v0  }
0x7f: {  	v0 =	vld @!p1 [tilespmem:s23+$0x50];
	_ =	sdelay $0x1  }
.Ltmp1:
0x80: {  	(pc) =	sbr.rel @p0 .LBB2_2-.Ltmp1, $3  }
0x81: {  	_ =	sdelay $0x1  }
0x82: {  	v1 =	vand.u32 @!p1 $0x3FFF, v0;
	v0 =	vshrl.u32 @!p1 v0, $0xE  }
0x83: {  	[tilespmem:$0x2CB0] =	vst @!p1 v1  }
.LBB2_3:
0x84: {  	[tilespmem:$0x2CF0] =	vst @!p1 v0  }
0x85: {  	[tilespmem:s28], [sflag:$0x1] =	stream.indirect.gather @!p1 [hbm4b:s2+s25], $0x30, s26, s25, $0xb8;
	[tilespmem:$0xBC00] =	vst v63  }
0x86: {  	_ =	swait.ge [sflag:s20], $0xC00  }
0x87: {  	[sflag:s20] =	ssyncset.done $0x0  }
0x88: {  	[sflag:s20] =	ssyncadd.s32 $0xFFFFF400  }
0x89: {  	[spmem:s3] =	stream.indirect.scatter.add.f32 [tilespmem:s17], [sflag:$0x3], $0x30, s21, s13, $0xb8;
	[tilespmem:$0xBC00] =	vst v63  }
0x8a: {  	_ =	swait.ge [sflag:s12], $0xC00  }
0x8b: {  	s22 =	sadd.s32 $0x1, s22;
	[sflag:s12] =	ssyncset.done $0x0  }
0x8c: {  	p0 =	sne.s32 s22, s10;
	[sflag:s12] =	ssyncadd.s32 $0xFFFFF400  }
.Ltmp2:
0x8d: {  	[bflag:$0x0] =	sbarrier.arrive $0xFFFF;
	(pc) =	sbr.rel @p0 .LBB2_1-.Ltmp2, $4  }
0x8e: {  	[hbm:s9], [sflag:s7] =	dma.local [spmem:s11], $0xED0  }
0x8f: {  	_ =	swait.ge [sflag:s12], $0xED0  }
0x90: {  	[sflag:s12] =	ssyncset.done $0x0  }
0x91: {  	[sflag:s12] =	ssyncadd.s32 $0xFFFFF130  }
0x92: {  	_ =	sfence.sel $0x180000  }
0x93: {  	[bflag:$0x0] =	sbarrier.arrive $0xFFFF  }
0x94: {  	p0 =	sne.s32 s1, $0x0;
	_ =	strace $0x9000004A  }
0x95: {  	s0 =	sadd.s32 @!p0 $0x100000, s0;
	[bflag:$0x2] =	sbarrier.arrive $0xFFFF  }
0x96: {  	[sflag:s0] =	ssyncadd.tile.s32 @!p0 $0x1;
	_ =	shalt  }
.Lfunc_end2:
_tile_overlayer_lowered:
.L_overlay_start_2:
0x97: {  	(tag) =	ssettag $0x2  }
0x98: {  	s0 =	rddreg [dreg:$0x0];
	s2 =	stileid.u32  }
0x99: {  	s1 =	rddreg [dreg:$0x1];
	p0 =	sne.s32 s2, $0x0  }
0x9a: {  	s3 =	rddreg [dreg:$0x2];
	[bflag:$0x3] =	sbarrier.arrive $0xFFFF;
	s2 =	simm.s32 @!p0 $0x1C03  }
0x9b: {  	[timem:s3], [sflag:s2] =	dma.local @!p0 [hbm:s0], s1  }
0x9c: {  	s0 =	simm.s32 @!p0 $0x3  }
0x9d: {  	_ =	swait.ge @!p0 [sflag:s0], s1  }
0x9e: {  	s1 =	ssub.s32 @!p0 $0x0, s1;
	[sflag:s0] =	ssyncset.done @!p0 $0x0  }
0x9f: {  	[sflag:s0] =	ssyncadd.s32 @!p0 s1  }
0xa0: {  	[bflag:$0x3] =	sbarrier.arrive $0xFFFF  }
0xa1: {  	_ =	shalt  }

</sc_bundles>
